<compile_context>
chip_gen: v7x
topology: tpu7x:2x2x1
jax: 0.10.2.dev20260603
libtpu: 0.0.44.dev20260713+nightly
codegen_flags: <defaults>
</compile_context>

<pallas_src>
import functools

import jax
import jax.numpy as jnp
from jax import lax
from jax.experimental import pallas as pl
from jax.experimental.pallas import tpu as pltpu
from jax.experimental.pallas import tpu_sc as plsc

N = 100000
D = 128
H1 = 128
H2 = 64
U = 50000
B = 1024

BM = 10240
NBLK = 10
NPAD = NBLK * BM

NW = 32
SHARD = 1563
RB = 1680
NCHUNK = RB // 16
GCH = 112
NG = RB // GCH
NBINS = 512
KEEP = 64
CAP = 80
CTOT = NW * CAP
CROWS = CTOT // 128

_NEG = -float("inf")


def _mlp_body(x_ref, w1_ref, b1_ref, w2_ref, b2_ref, w3_ref, b3_ref, out_ref):
    x = x_ref[...]
    h = jnp.maximum(jnp.dot(x, w1_ref[...]) + b1_ref[...], 0.0)
    h = jnp.maximum(jnp.dot(h, w2_ref[...]) + b2_ref[...], 0.0)
    s = jnp.dot(h, w3_ref[...]) + b3_ref[...]
    out_ref[...] = s.reshape(BM)


def _mlp_scores(inputs, W1, b1, W2, b2, W3, b3):
    return pl.pallas_call(
        _mlp_body,
        grid=(NBLK,),
        in_specs=[
            pl.BlockSpec((BM, D), lambda i: (i, 0)),
            pl.BlockSpec((D, H1), lambda i: (0, 0)),
            pl.BlockSpec((H1,), lambda i: (0,)),
            pl.BlockSpec((H1, H2), lambda i: (0, 0)),
            pl.BlockSpec((H2,), lambda i: (0,)),
            pl.BlockSpec((H2, 1), lambda i: (0, 0)),
            pl.BlockSpec((1,), lambda i: (0,)),
        ],
        out_specs=pl.BlockSpec((BM,), lambda i: (i,)),
        out_shape=jax.ShapeDtypeStruct((NPAD,), jnp.float32),
    )(inputs, W1, b1, W2, b2, W3, b3)


def _select_body(scores_hbm, und_hbm,
                 candx_hbm, candund_hbm, maxes_hbm, esums_hbm,
                 und_v, x_v, bins_v, hist_v, cx_v, cu_v, tmp_v, sem):
    cid = lax.axis_index("c")
    sid = lax.axis_index("s")
    wid = sid * 2 + cid
    lanes = lax.iota(jnp.int32, 16)

    lo_w = wid * SHARD
    hi_w = jnp.minimum(lo_w + SHARD, U)
    base = pl.multiple_of(jnp.clip(lo_w & ~7, 0, U - RB), 8)

    pltpu.sync_copy(und_hbm.at[pl.ds(base, RB)], und_v)
    copies = [
        pltpu.async_copy(scores_hbm.at[und_v.at[pl.ds(j * GCH, GCH)]],
                         x_v.at[pl.ds(j * GCH, GCH)], sem)
        for j in range(NG)
    ]
    for cp in copies:
        cp.wait()

    def mm_body(j, carry):
        mx, mn = carry
        xx = x_v[pl.ds(j * 16, 16)]
        gi = base + j * 16 + lanes
        valid = (gi >= lo_w) & (gi < hi_w)
        mx = jnp.maximum(mx, jnp.where(valid, xx, -jnp.inf))
        mn = jnp.minimum(mn, jnp.where(valid, xx, jnp.inf))
        return mx, mn

    mx0 = jnp.full((16,), -jnp.inf, jnp.float32)
    mn0 = jnp.full((16,), jnp.inf, jnp.float32)
    mxv, mnv = lax.fori_loop(0, NCHUNK, mm_body, (mx0, mn0))
    m_w = jnp.max(mxv)
    lo = jnp.min(mnv)
    scale = (jnp.full((16,), jnp.float32(NBINS)) /
             jnp.maximum(jnp.full((16,), m_w - lo), jnp.float32(1e-30)))

    def z_body(j, c):
        hist_v[pl.ds(j * 16, 16)] = jnp.zeros((16,), jnp.float32)
        return c

    lax.fori_loop(0, NBINS // 16, z_body, 0)

    def eb_body(j, acc):
        xx = x_v[pl.ds(j * 16, 16)]
        gi = base + j * 16 + lanes
        valid = (gi >= lo_w) & (gi < hi_w)
        acc = acc + jnp.where(valid, jnp.exp(xx - m_w), 0.0)
        u = jnp.clip((xx - lo) * scale, 0.0, jnp.float32(NBINS - 1))
        bn = jnp.where(valid, u.astype(jnp.int32), 0)
        bins_v[pl.ds(j * 16, 16)] = bn
        plsc.addupdate_scatter(hist_v, [bn],
                               jnp.where(valid, 1.0, 0.0).astype(jnp.float32))
        return acc

    esum = lax.fori_loop(0, NCHUNK, eb_body, jnp.zeros((16,), jnp.float32))

    def sc_body(j, carry):
        acc, bchunk, need = carry
        jj = NBINS // 16 - 1 - j
        hsum = jnp.sum(hist_v[pl.ds(jj * 16, 16)])
        nacc = acc + hsum
        crossed = (acc < KEEP) & (nacc >= KEEP)
        bchunk = jnp.where(crossed, jj, bchunk)
        need = jnp.where(crossed, jnp.float32(KEEP) - acc, need)
        return nacc, bchunk, need

    _, bchunk, need = lax.fori_loop(
        0, NBINS // 16, sc_body,
        (jnp.float32(0.0), jnp.int32(0), jnp.float32(KEEP)))

    ch = hist_v[pl.ds(bchunk * 16, 16)]
    csf = jnp.cumsum(lax.rev(ch, dimensions=(0,)))
    k = jnp.max(plsc.all_reduce_ffs(csf >= need))
    b = bchunk * 16 + 15 - k

    for j in range(CAP // 16):
        cx_v[pl.ds(j * 16, 16)] = jnp.full((16,), -jnp.inf, jnp.float32)
        cu_v[pl.ds(j * 16, 16)] = jnp.zeros((16,), jnp.int32)

    def cp_body(j, cnt):
        bn = bins_v[pl.ds(j * 16, 16)]
        gi = base + j * 16 + lanes
        msk = (bn >= b) & (gi >= lo_w) & (gi < hi_w)
        plsc.store_compressed(cx_v.at[pl.ds(cnt, 16)],
                              x_v[pl.ds(j * 16, 16)], mask=msk)
        plsc.store_compressed(cu_v.at[pl.ds(cnt, 16)],
                              und_v[pl.ds(j * 16, 16)], mask=msk)
        return cnt + jnp.max(plsc.all_reduce_population_count(msk))

    lax.fori_loop(0, NCHUNK, cp_body, jnp.int32(0))

    pltpu.sync_copy(cx_v.at[pl.ds(0, CAP)], candx_hbm.at[pl.ds(wid * CAP, CAP)])
    pltpu.sync_copy(cu_v.at[pl.ds(0, CAP)], candund_hbm.at[pl.ds(wid * CAP, CAP)])
    tmp_v[...] = jnp.full((16,), m_w, jnp.float32)
    pltpu.sync_copy(tmp_v, maxes_hbm.at[wid])
    tmp_v[...] = esum
    pltpu.sync_copy(tmp_v, esums_hbm.at[wid])


def _sc_select(scores, und):
    mesh = plsc.VectorSubcoreMesh(core_axis_name="c", subcore_axis_name="s")
    f = functools.partial(
        pl.kernel,
        mesh=mesh,
        compiler_params=pltpu.CompilerParams(needs_layout_passes=False),
        out_type=(
            jax.ShapeDtypeStruct((CTOT,), jnp.float32),
            jax.ShapeDtypeStruct((CTOT,), jnp.int32),
            jax.ShapeDtypeStruct((NW, 16), jnp.float32),
            jax.ShapeDtypeStruct((NW, 16), jnp.float32),
        ),
        scratch_types=[
            pltpu.VMEM((RB,), jnp.int32),
            pltpu.VMEM((RB,), jnp.float32),
            pltpu.VMEM((RB,), jnp.int32),
            pltpu.VMEM((NBINS,), jnp.float32),
            pltpu.VMEM((RB + 16,), jnp.float32),
            pltpu.VMEM((RB + 16,), jnp.int32),
            pltpu.VMEM((16,), jnp.float32),
            pltpu.SemaphoreType.DMA,
        ],
    )(_select_body)
    return f(scores, und)


def _rank_body(cx_ref, cu_ref, mx_ref, es_ref, prob_ref, ind_ref):
    cx = cx_ref[...]
    xrow = jnp.concatenate(
        [lax.slice(cx, (j, 0), (j + 1, 128)) for j in range(CROWS)],
        axis=1)
    gmax = jnp.max(xrow)
    e_row = jnp.exp(xrow - gmax)
    denom = jnp.sum(es_ref[...] * jnp.exp(mx_ref[...] - gmax))
    er = e_row * (1.0 / denom)
    ef = jnp.transpose(er)

    ranks = jnp.zeros((1, CTOT), jnp.int32)
    col = lax.broadcasted_iota(jnp.int32, (128, 1), 0)
    row = lax.broadcasted_iota(jnp.int32, (1, CTOT), 1)
    for jb in range(CROWS):
        ej = lax.slice(ef, (jb * 128, 0), (jb * 128 + 128, 1))
        tri = (col + jb * 128) < row
        bet = (ej > er) | ((ej == er) & tri)
        ranks = ranks + jnp.sum(bet.astype(jnp.int32), axis=0, keepdims=True)

    cu = cu_ref[...]
    ur = jnp.concatenate(
        [lax.slice(cu, (j, 0), (j + 1, 128)) for j in range(CROWS)],
        axis=1)

    for rb in range(8):
        rio = lax.broadcasted_iota(jnp.int32, (128, 1), 0) + rb * 128
        oh = ranks == rio
        esel = jnp.sum(jnp.where(oh, er, 0.0), axis=1, keepdims=True)
        usel = jnp.sum(jnp.where(oh, ur, 0), axis=1, keepdims=True)
        prob_ref[pl.ds(rb * 128, 128), :] = esel
        ind_ref[pl.ds(rb * 128, 128), :] = usel


def _rank_tc(candx, candund, maxes, esums):
    return pl.pallas_call(
        _rank_body,
        out_shape=(
            jax.ShapeDtypeStruct((B, 1), jnp.float32),
            jax.ShapeDtypeStruct((B, 1), jnp.int32),
        ),
    )(candx.reshape(CROWS, 128), candund.reshape(CROWS, 128), maxes, esums)


def kernel(inputs, un_dominated, p, W1, b1, W2, b2, W3, b3):
    scores = _mlp_scores(inputs, W1, b1, W2, b2, W3, b3)
    candx, candund, maxes, esums = _sc_select(
        scores, un_dominated.astype(jnp.int32))
    prob8, ind8 = _rank_tc(candx, candund, maxes, esums)
    return prob8.reshape(B), ind8.reshape(B)

# --- scband reference (transcript-rebuilt; emitter-appended) ---
"""Pipeline reference for scband-reinforce-53609781788859 (READ-ONLY COPY).

The authoritative reference and input builder live on the scoring server;
editing this copy changes nothing except your own understanding.
"""

import jax, jax.numpy as jnp
import numpy as np

N = 100000
D = 128
H1 = 128
H2 = 64
U = 50000
B = 1024


def setup_inputs(seed: int = 0) -> dict:
    key = jax.random.key(seed)
    ks = jax.random.split(key, 8)
    inputs = jax.random.normal(ks[0], (N, D), dtype=jnp.float32)
    un_dominated = jax.random.randint(ks[1], (U,), 0, N)
    W1 = jax.random.normal(ks[2], (D, H1), dtype=jnp.float32) * (1.0 / np.sqrt(D))
    b1 = jnp.zeros((H1,), dtype=jnp.float32)
    W2 = jax.random.normal(ks[3], (H1, H2), dtype=jnp.float32) * (1.0 / np.sqrt(H1))
    b2 = jnp.zeros((H2,), dtype=jnp.float32)
    W3 = jax.random.normal(ks[4], (H2, 1), dtype=jnp.float32) * (1.0 / np.sqrt(H2))
    b3 = jnp.zeros((1,), dtype=jnp.float32)
    return {"inputs": inputs, "un_dominated": un_dominated, "p": 0,
            "W1": W1, "b1": b1, "W2": W2, "b2": b2, "W3": W3, "b3": b3}


def reference(inputs, un_dominated, p, W1, b1, W2, b2, W3, b3):
    # Policy / GCNNet (assumed 2-hidden-layer MLP producing one score per node)
    h = jax.nn.relu(inputs @ W1 + b1)
    h = jax.nn.relu(h @ W2 + b2)
    output_embedding = h @ W3 + b3              # [N, 1]
    # torch.index_select(output_embedding, 0, un_dominated)
    embedding_target = jnp.take(output_embedding, un_dominated, axis=0)  # [U, 1]
    # softmax over dim 0 then squeeze
    probs = jax.nn.softmax(embedding_target, axis=0)
    probs = jnp.squeeze(probs)                  # [U]
    # imagination=False, test=False -> deterministic top-b path
    prob, idx = jax.lax.top_k(probs, B)         # sorted, largest
    indices = jnp.take(un_dominated, idx, axis=0)
    return (prob, indices)

if __name__ == "__main__":
    import jax
    _d = setup_inputs()
    print(jax.jit(kernel)(*tuple(_d.values())))

</pallas_src>

<mosaic_0001>
#map = affine_map<(d0, d1) -> (0)>
#map1 = affine_map<(d0, d1) -> (0, 0)>
module attributes {stable_mosaic.version = 14 : i64} {
  func.func @_select_body(%arg0: i32, %arg1: i32, %arg2: memref<102400xf32, #tpu.memory_space<hbm>>, %arg3: memref<50000xi32, #tpu.memory_space<hbm>>, %arg4: memref<2560xf32, #tpu.memory_space<hbm>>, %arg5: memref<2560xi32, #tpu.memory_space<hbm>>, %arg6: memref<32x16xf32, #tpu.memory_space<hbm>>, %arg7: memref<32x16xf32, #tpu.memory_space<hbm>>, %arg8: memref<1680xi32, #tpu.memory_space<vmem>>, %arg9: memref<1680xf32, #tpu.memory_space<vmem>>, %arg10: memref<1680xi32, #tpu.memory_space<vmem>>, %arg11: memref<512xf32, #tpu.memory_space<vmem>>, %arg12: memref<1696xf32, #tpu.memory_space<vmem>>, %arg13: memref<1696xi32, #tpu.memory_space<vmem>>, %arg14: memref<16xf32, #tpu.memory_space<vmem>>, %arg15: memref<!tpu.dma_semaphore, #tpu.memory_space<semaphore_mem>>) attributes {dimension_semantics = [#tpu.dimension_semantics<core_parallel>, #tpu.dimension_semantics<subcore_parallel>], iteration_bounds = array<i64: 2, 16>, scalar_prefetch = 0 : i64, scratch_operands = 8 : i64, tpu.core_type = #tpu.core_type<sc_vector_subcore>, window_params = [{transform_indices = #map}, {transform_indices = #map}, {transform_indices = #map}, {transform_indices = #map}, {transform_indices = #map1}, {transform_indices = #map1}]} {
    %mul3A = arith.constant 2 : i32
    %mul3A_0 = arith.muli %arg1, %mul3A : i32
    %add3A = arith.addi %mul3A_0, %arg0 : i32
    %iota3A = tpu.iota {dimensions = array<i32: 0>} : vector<16xi32>
    %mul3A_1 = arith.constant 1563 : i32
    %mul3A_2 = arith.muli %add3A, %mul3A_1 : i32
    %add3A_3 = arith.constant 1563 : i32
    %add3A_4 = arith.addi %mul3A_2, %add3A_3 : i32
    %min3A = arith.constant 50000 : i32
    %min3A_5 = arith.minsi %add3A_4, %min3A : i32
    %and3A = arith.constant -8 : i32
    %and3A_6 = arith.andi %mul3A_2, %and3A : i32
    %jit3A = arith.constant 0 : i32
    %jit3A_7 = arith.constant 48320 : i32
    %max3A = arith.maxsi %jit3A, %and3A_6 : i32
    %min3A_8 = arith.minsi %jit3A_7, %max3A : i32
    %multiple_of3A = tpu.assume_multiple %min3A_8, 8 : i32
    "tpu.region"() ({
      %run_scoped3A = tpu.sem_alloc : memref<!tpu.dma_semaphore, #tpu.memory_space<semaphore_mem>>
      %dma_start3A_308 = tpu.memref_slice %arg3[%multiple_of3A] : memref<50000xi32, #tpu.memory_space<hbm>> -> memref<1680xi32, #tpu.memory_space<hbm>>
      %dma_start3A_309 = tpu.memref_slice %arg3[%multiple_of3A] : memref<50000xi32, #tpu.memory_space<hbm>> -> memref<1680xi32, #tpu.memory_space<hbm>>
      tpu.enqueue_dma source(%dma_start3A_309 : memref<1680xi32, #tpu.memory_space<hbm>>) target(%arg8 : memref<1680xi32, #tpu.memory_space<vmem>>) target_semaphore(%run_scoped3A : memref<!tpu.dma_semaphore, #tpu.memory_space<semaphore_mem>>)
      %dma_wait3A_310 = tpu.memref_slice %arg3[%multiple_of3A] : memref<50000xi32, #tpu.memory_space<hbm>> -> memref<1680xi32, #tpu.memory_space<hbm>>
      %dma_wait3A_311 = tpu.memref_slice %arg3[%multiple_of3A] : memref<50000xi32, #tpu.memory_space<hbm>> -> memref<1680xi32, #tpu.memory_space<hbm>>
      tpu.wait_dma2 semaphore(%run_scoped3A : memref<!tpu.dma_semaphore, #tpu.memory_space<semaphore_mem>>) src(%dma_wait3A_311 : memref<1680xi32, #tpu.memory_space<hbm>>) dst(%arg8 : memref<1680xi32, #tpu.memory_space<vmem>>)
      tpu.yield
    }) : () -> ()
    %dma_start3A = arith.constant 0 : i32
    %dma_start3A_9 = tpu.memref_slice %arg9[%dma_start3A] : memref<1680xf32, #tpu.memory_space<vmem>> -> memref<112xf32, #tpu.memory_space<vmem>>
    %dma_start3A_10 = arith.constant 0 : i32
    %dma_start3A_11 = tpu.memref_slice %arg8[%dma_start3A_10] : memref<1680xi32, #tpu.memory_space<vmem>> -> memref<112xi32, #tpu.memory_space<vmem>>
    %dma_start3A_12 = arith.constant 0 : i32
    %dma_start3A_13 = tpu.memref_slice %arg2[%dma_start3A_12] : memref<102400xf32, #tpu.memory_space<hbm>> -> memref<102400xf32, #tpu.memory_space<hbm>>
    tpu.enqueue_indirect_dma source(%dma_start3A_13 : memref<102400xf32, #tpu.memory_space<hbm>>) target(%dma_start3A_9 : memref<112xf32, #tpu.memory_space<vmem>>) offsets(%dma_start3A_11 : memref<112xi32, #tpu.memory_space<vmem>>) semaphore(%arg15 : memref<!tpu.dma_semaphore, #tpu.memory_space<semaphore_mem>>)
    %dma_start3A_14 = arith.constant 112 : i32
    %dma_start3A_15 = tpu.memref_slice %arg9[%dma_start3A_14] : memref<1680xf32, #tpu.memory_space<vmem>> -> memref<112xf32, #tpu.memory_space<vmem>>
    %dma_start3A_16 = arith.constant 112 : i32
    %dma_start3A_17 = tpu.memref_slice %arg8[%dma_start3A_16] : memref<1680xi32, #tpu.memory_space<vmem>> -> memref<112xi32, #tpu.memory_space<vmem>>
    %dma_start3A_18 = arith.constant 0 : i32
    %dma_start3A_19 = tpu.memref_slice %arg2[%dma_start3A_18] : memref<102400xf32, #tpu.memory_space<hbm>> -> memref<102400xf32, #tpu.memory_space<hbm>>
    tpu.enqueue_indirect_dma source(%dma_start3A_19 : memref<102400xf32, #tpu.memory_space<hbm>>) target(%dma_start3A_15 : memref<112xf32, #tpu.memory_space<vmem>>) offsets(%dma_start3A_17 : memref<112xi32, #tpu.memory_space<vmem>>) semaphore(%arg15 : memref<!tpu.dma_semaphore, #tpu.memory_space<semaphore_mem>>)
    %dma_start3A_20 = arith.constant 224 : i32
    %dma_start3A_21 = tpu.memref_slice %arg9[%dma_start3A_20] : memref<1680xf32, #tpu.memory_space<vmem>> -> memref<112xf32, #tpu.memory_space<vmem>>
    %dma_start3A_22 = arith.constant 224 : i32
    %dma_start3A_23 = tpu.memref_slice %arg8[%dma_start3A_22] : memref<1680xi32, #tpu.memory_space<vmem>> -> memref<112xi32, #tpu.memory_space<vmem>>
    %dma_start3A_24 = arith.constant 0 : i32
    %dma_start3A_25 = tpu.memref_slice %arg2[%dma_start3A_24] : memref<102400xf32, #tpu.memory_space<hbm>> -> memref<102400xf32, #tpu.memory_space<hbm>>
    tpu.enqueue_indirect_dma source(%dma_start3A_25 : memref<102400xf32, #tpu.memory_space<hbm>>) target(%dma_start3A_21 : memref<112xf32, #tpu.memory_space<vmem>>) offsets(%dma_start3A_23 : memref<112xi32, #tpu.memory_space<vmem>>) semaphore(%arg15 : memref<!tpu.dma_semaphore, #tpu.memory_space<semaphore_mem>>)
    %dma_start3A_26 = arith.constant 336 : i32
    %dma_start3A_27 = tpu.memref_slice %arg9[%dma_start3A_26] : memref<1680xf32, #tpu.memory_space<vmem>> -> memref<112xf32, #tpu.memory_space<vmem>>
    %dma_start3A_28 = arith.constant 336 : i32
    %dma_start3A_29 = tpu.memref_slice %arg8[%dma_start3A_28] : memref<1680xi32, #tpu.memory_space<vmem>> -> memref<112xi32, #tpu.memory_space<vmem>>
    %dma_start3A_30 = arith.constant 0 : i32
    %dma_start3A_31 = tpu.memref_slice %arg2[%dma_start3A_30] : memref<102400xf32, #tpu.memory_space<hbm>> -> memref<102400xf32, #tpu.memory_space<hbm>>
    tpu.enqueue_indirect_dma source(%dma_start3A_31 : memref<102400xf32, #tpu.memory_space<hbm>>) target(%dma_start3A_27 : memref<112xf32, #tpu.memory_space<vmem>>) offsets(%dma_start3A_29 : memref<112xi32, #tpu.memory_space<vmem>>) semaphore(%arg15 : memref<!tpu.dma_semaphore, #tpu.memory_space<semaphore_mem>>)
    %dma_start3A_32 = arith.constant 448 : i32
    %dma_start3A_33 = tpu.memref_slice %arg9[%dma_start3A_32] : memref<1680xf32, #tpu.memory_space<vmem>> -> memref<112xf32, #tpu.memory_space<vmem>>
    %dma_start3A_34 = arith.constant 448 : i32
    %dma_start3A_35 = tpu.memref_slice %arg8[%dma_start3A_34] : memref<1680xi32, #tpu.memory_space<vmem>> -> memref<112xi32, #tpu.memory_space<vmem>>
    %dma_start3A_36 = arith.constant 0 : i32
    %dma_start3A_37 = tpu.memref_slice %arg2[%dma_start3A_36] : memref<102400xf32, #tpu.memory_space<hbm>> -> memref<102400xf32, #tpu.memory_space<hbm>>
    tpu.enqueue_indirect_dma source(%dma_start3A_37 : memref<102400xf32, #tpu.memory_space<hbm>>) target(%dma_start3A_33 : memref<112xf32, #tpu.memory_space<vmem>>) offsets(%dma_start3A_35 : memref<112xi32, #tpu.memory_space<vmem>>) semaphore(%arg15 : memref<!tpu.dma_semaphore, #tpu.memory_space<semaphore_mem>>)
    %dma_start3A_38 = arith.constant 560 : i32
    %dma_start3A_39 = tpu.memref_slice %arg9[%dma_start3A_38] : memref<1680xf32, #tpu.memory_space<vmem>> -> memref<112xf32, #tpu.memory_space<vmem>>
    %dma_start3A_40 = arith.constant 560 : i32
    %dma_start3A_41 = tpu.memref_slice %arg8[%dma_start3A_40] : memref<1680xi32, #tpu.memory_space<vmem>> -> memref<112xi32, #tpu.memory_space<vmem>>
    %dma_start3A_42 = arith.constant 0 : i32
    %dma_start3A_43 = tpu.memref_slice %arg2[%dma_start3A_42] : memref<102400xf32, #tpu.memory_space<hbm>> -> memref<102400xf32, #tpu.memory_space<hbm>>
    tpu.enqueue_indirect_dma source(%dma_start3A_43 : memref<102400xf32, #tpu.memory_space<hbm>>) target(%dma_start3A_39 : memref<112xf32, #tpu.memory_space<vmem>>) offsets(%dma_start3A_41 : memref<112xi32, #tpu.memory_space<vmem>>) semaphore(%arg15 : memref<!tpu.dma_semaphore, #tpu.memory_space<semaphore_mem>>)
    %dma_start3A_44 = arith.constant 672 : i32
    %dma_start3A_45 = tpu.memref_slice %arg9[%dma_start3A_44] : memref<1680xf32, #tpu.memory_space<vmem>> -> memref<112xf32, #tpu.memory_space<vmem>>
    %dma_start3A_46 = arith.constant 672 : i32
    %dma_start3A_47 = tpu.memref_slice %arg8[%dma_start3A_46] : memref<1680xi32, #tpu.memory_space<vmem>> -> memref<112xi32, #tpu.memory_space<vmem>>
    %dma_start3A_48 = arith.constant 0 : i32
    %dma_start3A_49 = tpu.memref_slice %arg2[%dma_start3A_48] : memref<102400xf32, #tpu.memory_space<hbm>> -> memref<102400xf32, #tpu.memory_space<hbm>>
    tpu.enqueue_indirect_dma source(%dma_start3A_49 : memref<102400xf32, #tpu.memory_space<hbm>>) target(%dma_start3A_45 : memref<112xf32, #tpu.memory_space<vmem>>) offsets(%dma_start3A_47 : memref<112xi32, #tpu.memory_space<vmem>>) semaphore(%arg15 : memref<!tpu.dma_semaphore, #tpu.memory_space<semaphore_mem>>)
    %dma_start3A_50 = arith.constant 784 : i32
    %dma_start3A_51 = tpu.memref_slice %arg9[%dma_start3A_50] : memref<1680xf32, #tpu.memory_space<vmem>> -> memref<112xf32, #tpu.memory_space<vmem>>
    %dma_start3A_52 = arith.constant 784 : i32
    %dma_start3A_53 = tpu.memref_slice %arg8[%dma_start3A_52] : memref<1680xi32, #tpu.memory_space<vmem>> -> memref<112xi32, #tpu.memory_space<vmem>>
    %dma_start3A_54 = arith.constant 0 : i32
    %dma_start3A_55 = tpu.memref_slice %arg2[%dma_start3A_54] : memref<102400xf32, #tpu.memory_space<hbm>> -> memref<102400xf32, #tpu.memory_space<hbm>>
    tpu.enqueue_indirect_dma source(%dma_start3A_55 : memref<102400xf32, #tpu.memory_space<hbm>>) target(%dma_start3A_51 : memref<112xf32, #tpu.memory_space<vmem>>) offsets(%dma_start3A_53 : memref<112xi32, #tpu.memory_space<vmem>>) semaphore(%arg15 : memref<!tpu.dma_semaphore, #tpu.memory_space<semaphore_mem>>)
    %dma_start3A_56 = arith.constant 896 : i32
    %dma_start3A_57 = tpu.memref_slice %arg9[%dma_start3A_56] : memref<1680xf32, #tpu.memory_space<vmem>> -> memref<112xf32, #tpu.memory_space<vmem>>
    %dma_start3A_58 = arith.constant 896 : i32
    %dma_start3A_59 = tpu.memref_slice %arg8[%dma_start3A_58] : memref<1680xi32, #tpu.memory_space<vmem>> -> memref<112xi32, #tpu.memory_space<vmem>>
    %dma_start3A_60 = arith.constant 0 : i32
    %dma_start3A_61 = tpu.memref_slice %arg2[%dma_start3A_60] : memref<102400xf32, #tpu.memory_space<hbm>> -> memref<102400xf32, #tpu.memory_space<hbm>>
    tpu.enqueue_indirect_dma source(%dma_start3A_61 : memref<102400xf32, #tpu.memory_space<hbm>>) target(%dma_start3A_57 : memref<112xf32, #tpu.memory_space<vmem>>) offsets(%dma_start3A_59 : memref<112xi32, #tpu.memory_space<vmem>>) semaphore(%arg15 : memref<!tpu.dma_semaphore, #tpu.memory_space<semaphore_mem>>)
    %dma_start3A_62 = arith.constant 1008 : i32
    %dma_start3A_63 = tpu.memref_slice %arg9[%dma_start3A_62] : memref<1680xf32, #tpu.memory_space<vmem>> -> memref<112xf32, #tpu.memory_space<vmem>>
    %dma_start3A_64 = arith.constant 1008 : i32
    %dma_start3A_65 = tpu.memref_slice %arg8[%dma_start3A_64] : memref<1680xi32, #tpu.memory_space<vmem>> -> memref<112xi32, #tpu.memory_space<vmem>>
    %dma_start3A_66 = arith.constant 0 : i32
    %dma_start3A_67 = tpu.memref_slice %arg2[%dma_start3A_66] : memref<102400xf32, #tpu.memory_space<hbm>> -> memref<102400xf32, #tpu.memory_space<hbm>>
    tpu.enqueue_indirect_dma source(%dma_start3A_67 : memref<102400xf32, #tpu.memory_space<hbm>>) target(%dma_start3A_63 : memref<112xf32, #tpu.memory_space<vmem>>) offsets(%dma_start3A_65 : memref<112xi32, #tpu.memory_space<vmem>>) semaphore(%arg15 : memref<!tpu.dma_semaphore, #tpu.memory_space<semaphore_mem>>)
    %dma_start3A_68 = arith.constant 1120 : i32
    %dma_start3A_69 = tpu.memref_slice %arg9[%dma_start3A_68] : memref<1680xf32, #tpu.memory_space<vmem>> -> memref<112xf32, #tpu.memory_space<vmem>>
    %dma_start3A_70 = arith.constant 1120 : i32
    %dma_start3A_71 = tpu.memref_slice %arg8[%dma_start3A_70] : memref<1680xi32, #tpu.memory_space<vmem>> -> memref<112xi32, #tpu.memory_space<vmem>>
    %dma_start3A_72 = arith.constant 0 : i32
    %dma_start3A_73 = tpu.memref_slice %arg2[%dma_start3A_72] : memref<102400xf32, #tpu.memory_space<hbm>> -> memref<102400xf32, #tpu.memory_space<hbm>>
    tpu.enqueue_indirect_dma source(%dma_start3A_73 : memref<102400xf32, #tpu.memory_space<hbm>>) target(%dma_start3A_69 : memref<112xf32, #tpu.memory_space<vmem>>) offsets(%dma_start3A_71 : memref<112xi32, #tpu.memory_space<vmem>>) semaphore(%arg15 : memref<!tpu.dma_semaphore, #tpu.memory_space<semaphore_mem>>)
    %dma_start3A_74 = arith.constant 1232 : i32
    %dma_start3A_75 = tpu.memref_slice %arg9[%dma_start3A_74] : memref<1680xf32, #tpu.memory_space<vmem>> -> memref<112xf32, #tpu.memory_space<vmem>>
    %dma_start3A_76 = arith.constant 1232 : i32
    %dma_start3A_77 = tpu.memref_slice %arg8[%dma_start3A_76] : memref<1680xi32, #tpu.memory_space<vmem>> -> memref<112xi32, #tpu.memory_space<vmem>>
    %dma_start3A_78 = arith.constant 0 : i32
    %dma_start3A_79 = tpu.memref_slice %arg2[%dma_start3A_78] : memref<102400xf32, #tpu.memory_space<hbm>> -> memref<102400xf32, #tpu.memory_space<hbm>>
    tpu.enqueue_indirect_dma source(%dma_start3A_79 : memref<102400xf32, #tpu.memory_space<hbm>>) target(%dma_start3A_75 : memref<112xf32, #tpu.memory_space<vmem>>) offsets(%dma_start3A_77 : memref<112xi32, #tpu.memory_space<vmem>>) semaphore(%arg15 : memref<!tpu.dma_semaphore, #tpu.memory_space<semaphore_mem>>)
    %dma_start3A_80 = arith.constant 1344 : i32
    %dma_start3A_81 = tpu.memref_slice %arg9[%dma_start3A_80] : memref<1680xf32, #tpu.memory_space<vmem>> -> memref<112xf32, #tpu.memory_space<vmem>>
    %dma_start3A_82 = arith.constant 1344 : i32
    %dma_start3A_83 = tpu.memref_slice %arg8[%dma_start3A_82] : memref<1680xi32, #tpu.memory_space<vmem>> -> memref<112xi32, #tpu.memory_space<vmem>>
    %dma_start3A_84 = arith.constant 0 : i32
    %dma_start3A_85 = tpu.memref_slice %arg2[%dma_start3A_84] : memref<102400xf32, #tpu.memory_space<hbm>> -> memref<102400xf32, #tpu.memory_space<hbm>>
    tpu.enqueue_indirect_dma source(%dma_start3A_85 : memref<102400xf32, #tpu.memory_space<hbm>>) target(%dma_start3A_81 : memref<112xf32, #tpu.memory_space<vmem>>) offsets(%dma_start3A_83 : memref<112xi32, #tpu.memory_space<vmem>>) semaphore(%arg15 : memref<!tpu.dma_semaphore, #tpu.memory_space<semaphore_mem>>)
    %dma_start3A_86 = arith.constant 1456 : i32
    %dma_start3A_87 = tpu.memref_slice %arg9[%dma_start3A_86] : memref<1680xf32, #tpu.memory_space<vmem>> -> memref<112xf32, #tpu.memory_space<vmem>>
    %dma_start3A_88 = arith.constant 1456 : i32
    %dma_start3A_89 = tpu.memref_slice %arg8[%dma_start3A_88] : memref<1680xi32, #tpu.memory_space<vmem>> -> memref<112xi32, #tpu.memory_space<vmem>>
    %dma_start3A_90 = arith.constant 0 : i32
    %dma_start3A_91 = tpu.memref_slice %arg2[%dma_start3A_90] : memref<102400xf32, #tpu.memory_space<hbm>> -> memref<102400xf32, #tpu.memory_space<hbm>>
    tpu.enqueue_indirect_dma source(%dma_start3A_91 : memref<102400xf32, #tpu.memory_space<hbm>>) target(%dma_start3A_87 : memref<112xf32, #tpu.memory_space<vmem>>) offsets(%dma_start3A_89 : memref<112xi32, #tpu.memory_space<vmem>>) semaphore(%arg15 : memref<!tpu.dma_semaphore, #tpu.memory_space<semaphore_mem>>)
    %dma_start3A_92 = arith.constant 1568 : i32
    %dma_start3A_93 = tpu.memref_slice %arg9[%dma_start3A_92] : memref<1680xf32, #tpu.memory_space<vmem>> -> memref<112xf32, #tpu.memory_space<vmem>>
    %dma_start3A_94 = arith.constant 1568 : i32
    %dma_start3A_95 = tpu.memref_slice %arg8[%dma_start3A_94] : memref<1680xi32, #tpu.memory_space<vmem>> -> memref<112xi32, #tpu.memory_space<vmem>>
    %dma_start3A_96 = arith.constant 0 : i32
    %dma_start3A_97 = tpu.memref_slice %arg2[%dma_start3A_96] : memref<102400xf32, #tpu.memory_space<hbm>> -> memref<102400xf32, #tpu.memory_space<hbm>>
    tpu.enqueue_indirect_dma source(%dma_start3A_97 : memref<102400xf32, #tpu.memory_space<hbm>>) target(%dma_start3A_93 : memref<112xf32, #tpu.memory_space<vmem>>) offsets(%dma_start3A_95 : memref<112xi32, #tpu.memory_space<vmem>>) semaphore(%arg15 : memref<!tpu.dma_semaphore, #tpu.memory_space<semaphore_mem>>)
    %dma_wait3A = arith.constant 0 : i32
    %dma_wait3A_98 = tpu.memref_slice %arg9[%dma_wait3A] : memref<1680xf32, #tpu.memory_space<vmem>> -> memref<112xf32, #tpu.memory_space<vmem>>
    %dma_wait3A_99 = arith.constant 0 : i32
    %dma_wait3A_100 = tpu.memref_slice %arg8[%dma_wait3A_99] : memref<1680xi32, #tpu.memory_space<vmem>> -> memref<112xi32, #tpu.memory_space<vmem>>
    %dma_wait3A_101 = arith.constant 0 : i32
    %dma_wait3A_102 = tpu.memref_slice %arg2[%dma_wait3A_101] : memref<102400xf32, #tpu.memory_space<hbm>> -> memref<102400xf32, #tpu.memory_space<hbm>>
    tpu.wait_indirect_dma semaphore(%arg15 : memref<!tpu.dma_semaphore, #tpu.memory_space<semaphore_mem>>) src(%dma_wait3A_102 : memref<102400xf32, #tpu.memory_space<hbm>>) dst(%dma_wait3A_98 : memref<112xf32, #tpu.memory_space<vmem>>)
    %dma_wait3A_103 = arith.constant 112 : i32
    %dma_wait3A_104 = tpu.memref_slice %arg9[%dma_wait3A_103] : memref<1680xf32, #tpu.memory_space<vmem>> -> memref<112xf32, #tpu.memory_space<vmem>>
    %dma_wait3A_105 = arith.constant 112 : i32
    %dma_wait3A_106 = tpu.memref_slice %arg8[%dma_wait3A_105] : memref<1680xi32, #tpu.memory_space<vmem>> -> memref<112xi32, #tpu.memory_space<vmem>>
    %dma_wait3A_107 = arith.constant 0 : i32
    %dma_wait3A_108 = tpu.memref_slice %arg2[%dma_wait3A_107] : memref<102400xf32, #tpu.memory_space<hbm>> -> memref<102400xf32, #tpu.memory_space<hbm>>
    tpu.wait_indirect_dma semaphore(%arg15 : memref<!tpu.dma_semaphore, #tpu.memory_space<semaphore_mem>>) src(%dma_wait3A_108 : memref<102400xf32, #tpu.memory_space<hbm>>) dst(%dma_wait3A_104 : memref<112xf32, #tpu.memory_space<vmem>>)
    %dma_wait3A_109 = arith.constant 224 : i32
    %dma_wait3A_110 = tpu.memref_slice %arg9[%dma_wait3A_109] : memref<1680xf32, #tpu.memory_space<vmem>> -> memref<112xf32, #tpu.memory_space<vmem>>
    %dma_wait3A_111 = arith.constant 224 : i32
    %dma_wait3A_112 = tpu.memref_slice %arg8[%dma_wait3A_111] : memref<1680xi32, #tpu.memory_space<vmem>> -> memref<112xi32, #tpu.memory_space<vmem>>
    %dma_wait3A_113 = arith.constant 0 : i32
    %dma_wait3A_114 = tpu.memref_slice %arg2[%dma_wait3A_113] : memref<102400xf32, #tpu.memory_space<hbm>> -> memref<102400xf32, #tpu.memory_space<hbm>>
    tpu.wait_indirect_dma semaphore(%arg15 : memref<!tpu.dma_semaphore, #tpu.memory_space<semaphore_mem>>) src(%dma_wait3A_114 : memref<102400xf32, #tpu.memory_space<hbm>>) dst(%dma_wait3A_110 : memref<112xf32, #tpu.memory_space<vmem>>)
    %dma_wait3A_115 = arith.constant 336 : i32
    %dma_wait3A_116 = tpu.memref_slice %arg9[%dma_wait3A_115] : memref<1680xf32, #tpu.memory_space<vmem>> -> memref<112xf32, #tpu.memory_space<vmem>>
    %dma_wait3A_117 = arith.constant 336 : i32
    %dma_wait3A_118 = tpu.memref_slice %arg8[%dma_wait3A_117] : memref<1680xi32, #tpu.memory_space<vmem>> -> memref<112xi32, #tpu.memory_space<vmem>>
    %dma_wait3A_119 = arith.constant 0 : i32
    %dma_wait3A_120 = tpu.memref_slice %arg2[%dma_wait3A_119] : memref<102400xf32, #tpu.memory_space<hbm>> -> memref<102400xf32, #tpu.memory_space<hbm>>
    tpu.wait_indirect_dma semaphore(%arg15 : memref<!tpu.dma_semaphore, #tpu.memory_space<semaphore_mem>>) src(%dma_wait3A_120 : memref<102400xf32, #tpu.memory_space<hbm>>) dst(%dma_wait3A_116 : memref<112xf32, #tpu.memory_space<vmem>>)
    %dma_wait3A_121 = arith.constant 448 : i32
    %dma_wait3A_122 = tpu.memref_slice %arg9[%dma_wait3A_121] : memref<1680xf32, #tpu.memory_space<vmem>> -> memref<112xf32, #tpu.memory_space<vmem>>
    %dma_wait3A_123 = arith.constant 448 : i32
    %dma_wait3A_124 = tpu.memref_slice %arg8[%dma_wait3A_123] : memref<1680xi32, #tpu.memory_space<vmem>> -> memref<112xi32, #tpu.memory_space<vmem>>
    %dma_wait3A_125 = arith.constant 0 : i32
    %dma_wait3A_126 = tpu.memref_slice %arg2[%dma_wait3A_125] : memref<102400xf32, #tpu.memory_space<hbm>> -> memref<102400xf32, #tpu.memory_space<hbm>>
    tpu.wait_indirect_dma semaphore(%arg15 : memref<!tpu.dma_semaphore, #tpu.memory_space<semaphore_mem>>) src(%dma_wait3A_126 : memref<102400xf32, #tpu.memory_space<hbm>>) dst(%dma_wait3A_122 : memref<112xf32, #tpu.memory_space<vmem>>)
    %dma_wait3A_127 = arith.constant 560 : i32
    %dma_wait3A_128 = tpu.memref_slice %arg9[%dma_wait3A_127] : memref<1680xf32, #tpu.memory_space<vmem>> -> memref<112xf32, #tpu.memory_space<vmem>>
    %dma_wait3A_129 = arith.constant 560 : i32
    %dma_wait3A_130 = tpu.memref_slice %arg8[%dma_wait3A_129] : memref<1680xi32, #tpu.memory_space<vmem>> -> memref<112xi32, #tpu.memory_space<vmem>>
    %dma_wait3A_131 = arith.constant 0 : i32
    %dma_wait3A_132 = tpu.memref_slice %arg2[%dma_wait3A_131] : memref<102400xf32, #tpu.memory_space<hbm>> -> memref<102400xf32, #tpu.memory_space<hbm>>
    tpu.wait_indirect_dma semaphore(%arg15 : memref<!tpu.dma_semaphore, #tpu.memory_space<semaphore_mem>>) src(%dma_wait3A_132 : memref<102400xf32, #tpu.memory_space<hbm>>) dst(%dma_wait3A_128 : memref<112xf32, #tpu.memory_space<vmem>>)
    %dma_wait3A_133 = arith.constant 672 : i32
    %dma_wait3A_134 = tpu.memref_slice %arg9[%dma_wait3A_133] : memref<1680xf32, #tpu.memory_space<vmem>> -> memref<112xf32, #tpu.memory_space<vmem>>
    %dma_wait3A_135 = arith.constant 672 : i32
    %dma_wait3A_136 = tpu.memref_slice %arg8[%dma_wait3A_135] : memref<1680xi32, #tpu.memory_space<vmem>> -> memref<112xi32, #tpu.memory_space<vmem>>
    %dma_wait3A_137 = arith.constant 0 : i32
    %dma_wait3A_138 = tpu.memref_slice %arg2[%dma_wait3A_137] : memref<102400xf32, #tpu.memory_space<hbm>> -> memref<102400xf32, #tpu.memory_space<hbm>>
    tpu.wait_indirect_dma semaphore(%arg15 : memref<!tpu.dma_semaphore, #tpu.memory_space<semaphore_mem>>) src(%dma_wait3A_138 : memref<102400xf32, #tpu.memory_space<hbm>>) dst(%dma_wait3A_134 : memref<112xf32, #tpu.memory_space<vmem>>)
    %dma_wait3A_139 = arith.constant 784 : i32
    %dma_wait3A_140 = tpu.memref_slice %arg9[%dma_wait3A_139] : memref<1680xf32, #tpu.memory_space<vmem>> -> memref<112xf32, #tpu.memory_space<vmem>>
    %dma_wait3A_141 = arith.constant 784 : i32
    %dma_wait3A_142 = tpu.memref_slice %arg8[%dma_wait3A_141] : memref<1680xi32, #tpu.memory_space<vmem>> -> memref<112xi32, #tpu.memory_space<vmem>>
    %dma_wait3A_143 = arith.constant 0 : i32
    %dma_wait3A_144 = tpu.memref_slice %arg2[%dma_wait3A_143] : memref<102400xf32, #tpu.memory_space<hbm>> -> memref<102400xf32, #tpu.memory_space<hbm>>
    tpu.wait_indirect_dma semaphore(%arg15 : memref<!tpu.dma_semaphore, #tpu.memory_space<semaphore_mem>>) src(%dma_wait3A_144 : memref<102400xf32, #tpu.memory_space<hbm>>) dst(%dma_wait3A_140 : memref<112xf32, #tpu.memory_space<vmem>>)
    %dma_wait3A_145 = arith.constant 896 : i32
    %dma_wait3A_146 = tpu.memref_slice %arg9[%dma_wait3A_145] : memref<1680xf32, #tpu.memory_space<vmem>> -> memref<112xf32, #tpu.memory_space<vmem>>
    %dma_wait3A_147 = arith.constant 896 : i32
    %dma_wait3A_148 = tpu.memref_slice %arg8[%dma_wait3A_147] : memref<1680xi32, #tpu.memory_space<vmem>> -> memref<112xi32, #tpu.memory_space<vmem>>
    %dma_wait3A_149 = arith.constant 0 : i32
    %dma_wait3A_150 = tpu.memref_slice %arg2[%dma_wait3A_149] : memref<102400xf32, #tpu.memory_space<hbm>> -> memref<102400xf32, #tpu.memory_space<hbm>>
    tpu.wait_indirect_dma semaphore(%arg15 : memref<!tpu.dma_semaphore, #tpu.memory_space<semaphore_mem>>) src(%dma_wait3A_150 : memref<102400xf32, #tpu.memory_space<hbm>>) dst(%dma_wait3A_146 : memref<112xf32, #tpu.memory_space<vmem>>)
    %dma_wait3A_151 = arith.constant 1008 : i32
    %dma_wait3A_152 = tpu.memref_slice %arg9[%dma_wait3A_151] : memref<1680xf32, #tpu.memory_space<vmem>> -> memref<112xf32, #tpu.memory_space<vmem>>
    %dma_wait3A_153 = arith.constant 1008 : i32
    %dma_wait3A_154 = tpu.memref_slice %arg8[%dma_wait3A_153] : memref<1680xi32, #tpu.memory_space<vmem>> -> memref<112xi32, #tpu.memory_space<vmem>>
    %dma_wait3A_155 = arith.constant 0 : i32
    %dma_wait3A_156 = tpu.memref_slice %arg2[%dma_wait3A_155] : memref<102400xf32, #tpu.memory_space<hbm>> -> memref<102400xf32, #tpu.memory_space<hbm>>
    tpu.wait_indirect_dma semaphore(%arg15 : memref<!tpu.dma_semaphore, #tpu.memory_space<semaphore_mem>>) src(%dma_wait3A_156 : memref<102400xf32, #tpu.memory_space<hbm>>) dst(%dma_wait3A_152 : memref<112xf32, #tpu.memory_space<vmem>>)
    %dma_wait3A_157 = arith.constant 1120 : i32
    %dma_wait3A_158 = tpu.memref_slice %arg9[%dma_wait3A_157] : memref<1680xf32, #tpu.memory_space<vmem>> -> memref<112xf32, #tpu.memory_space<vmem>>
    %dma_wait3A_159 = arith.constant 1120 : i32
    %dma_wait3A_160 = tpu.memref_slice %arg8[%dma_wait3A_159] : memref<1680xi32, #tpu.memory_space<vmem>> -> memref<112xi32, #tpu.memory_space<vmem>>
    %dma_wait3A_161 = arith.constant 0 : i32
    %dma_wait3A_162 = tpu.memref_slice %arg2[%dma_wait3A_161] : memref<102400xf32, #tpu.memory_space<hbm>> -> memref<102400xf32, #tpu.memory_space<hbm>>
    tpu.wait_indirect_dma semaphore(%arg15 : memref<!tpu.dma_semaphore, #tpu.memory_space<semaphore_mem>>) src(%dma_wait3A_162 : memref<102400xf32, #tpu.memory_space<hbm>>) dst(%dma_wait3A_158 : memref<112xf32, #tpu.memory_space<vmem>>)
    %dma_wait3A_163 = arith.constant 1232 : i32
    %dma_wait3A_164 = tpu.memref_slice %arg9[%dma_wait3A_163] : memref<1680xf32, #tpu.memory_space<vmem>> -> memref<112xf32, #tpu.memory_space<vmem>>
    %dma_wait3A_165 = arith.constant 1232 : i32
    %dma_wait3A_166 = tpu.memref_slice %arg8[%dma_wait3A_165] : memref<1680xi32, #tpu.memory_space<vmem>> -> memref<112xi32, #tpu.memory_space<vmem>>
    %dma_wait3A_167 = arith.constant 0 : i32
    %dma_wait3A_168 = tpu.memref_slice %arg2[%dma_wait3A_167] : memref<102400xf32, #tpu.memory_space<hbm>> -> memref<102400xf32, #tpu.memory_space<hbm>>
    tpu.wait_indirect_dma semaphore(%arg15 : memref<!tpu.dma_semaphore, #tpu.memory_space<semaphore_mem>>) src(%dma_wait3A_168 : memref<102400xf32, #tpu.memory_space<hbm>>) dst(%dma_wait3A_164 : memref<112xf32, #tpu.memory_space<vmem>>)
    %dma_wait3A_169 = arith.constant 1344 : i32
    %dma_wait3A_170 = tpu.memref_slice %arg9[%dma_wait3A_169] : memref<1680xf32, #tpu.memory_space<vmem>> -> memref<112xf32, #tpu.memory_space<vmem>>
    %dma_wait3A_171 = arith.constant 1344 : i32
    %dma_wait3A_172 = tpu.memref_slice %arg8[%dma_wait3A_171] : memref<1680xi32, #tpu.memory_space<vmem>> -> memref<112xi32, #tpu.memory_space<vmem>>
    %dma_wait3A_173 = arith.constant 0 : i32
    %dma_wait3A_174 = tpu.memref_slice %arg2[%dma_wait3A_173] : memref<102400xf32, #tpu.memory_space<hbm>> -> memref<102400xf32, #tpu.memory_space<hbm>>
    tpu.wait_indirect_dma semaphore(%arg15 : memref<!tpu.dma_semaphore, #tpu.memory_space<semaphore_mem>>) src(%dma_wait3A_174 : memref<102400xf32, #tpu.memory_space<hbm>>) dst(%dma_wait3A_170 : memref<112xf32, #tpu.memory_space<vmem>>)
    %dma_wait3A_175 = arith.constant 1456 : i32
    %dma_wait3A_176 = tpu.memref_slice %arg9[%dma_wait3A_175] : memref<1680xf32, #tpu.memory_space<vmem>> -> memref<112xf32, #tpu.memory_space<vmem>>
    %dma_wait3A_177 = arith.constant 1456 : i32
    %dma_wait3A_178 = tpu.memref_slice %arg8[%dma_wait3A_177] : memref<1680xi32, #tpu.memory_space<vmem>> -> memref<112xi32, #tpu.memory_space<vmem>>
    %dma_wait3A_179 = arith.constant 0 : i32
    %dma_wait3A_180 = tpu.memref_slice %arg2[%dma_wait3A_179] : memref<102400xf32, #tpu.memory_space<hbm>> -> memref<102400xf32, #tpu.memory_space<hbm>>
    tpu.wait_indirect_dma semaphore(%arg15 : memref<!tpu.dma_semaphore, #tpu.memory_space<semaphore_mem>>) src(%dma_wait3A_180 : memref<102400xf32, #tpu.memory_space<hbm>>) dst(%dma_wait3A_176 : memref<112xf32, #tpu.memory_space<vmem>>)
    %dma_wait3A_181 = arith.constant 1568 : i32
    %dma_wait3A_182 = tpu.memref_slice %arg9[%dma_wait3A_181] : memref<1680xf32, #tpu.memory_space<vmem>> -> memref<112xf32, #tpu.memory_space<vmem>>
    %dma_wait3A_183 = arith.constant 1568 : i32
    %dma_wait3A_184 = tpu.memref_slice %arg8[%dma_wait3A_183] : memref<1680xi32, #tpu.memory_space<vmem>> -> memref<112xi32, #tpu.memory_space<vmem>>
    %dma_wait3A_185 = arith.constant 0 : i32
    %dma_wait3A_186 = tpu.memref_slice %arg2[%dma_wait3A_185] : memref<102400xf32, #tpu.memory_space<hbm>> -> memref<102400xf32, #tpu.memory_space<hbm>>
    tpu.wait_indirect_dma semaphore(%arg15 : memref<!tpu.dma_semaphore, #tpu.memory_space<semaphore_mem>>) src(%dma_wait3A_186 : memref<102400xf32, #tpu.memory_space<hbm>>) dst(%dma_wait3A_182 : memref<112xf32, #tpu.memory_space<vmem>>)
    %broadcast_in_dim3A = arith.constant 0xFF800000 : f32
    %broadcast_in_dim3A_187 = vector.broadcast %broadcast_in_dim3A : f32 to vector<16xf32>
    %broadcast_in_dim3A_188 = arith.constant 0x7F800000 : f32
    %broadcast_in_dim3A_189 = vector.broadcast %broadcast_in_dim3A_188 : f32 to vector<16xf32>
    %scan3A = arith.constant 0 : i32
    %scan3A_190 = arith.constant 105 : i32
    %scan3A_191 = arith.addi %scan3A, %scan3A_190 : i32
    %scan3A_192 = arith.constant 1 : i32
    %scan3A_193:2 = scf.for %scan3A_308 = %scan3A to %scan3A_191 step %scan3A_192 iter_args(%scan3A_309 = %broadcast_in_dim3A_187, %scan3A_310 = %broadcast_in_dim3A_189) -> (vector<16xf32>, vector<16xf32>)  : i32 {
      %mul3A_311 = arith.constant 16 : i32
      %mul3A_312 = arith.muli %scan3A_308, %mul3A_311 : i32
      %get3A_313 = arith.index_cast %mul3A_312 : i32 to index
      %get3A_314 = tpu.vector_load %arg9[%get3A_313] {strides = array<i32>} : memref<1680xf32, #tpu.memory_space<vmem>>, vector<16xf32>,
      %mul3A_315 = arith.constant 16 : i32
      %mul3A_316 = arith.muli %scan3A_308, %mul3A_315 : i32
      %add3A_317 = arith.addi %multiple_of3A, %mul3A_316 : i32
      %add3A_318 = vector.broadcast %add3A_317 : i32 to vector<16xi32>
      %add3A_319 = arith.addi %add3A_318, %iota3A : vector<16xi32>
      %ge3A_320 = vector.broadcast %mul3A_2 : i32 to vector<16xi32>
      %ge3A_321 = arith.cmpi sge, %add3A_319, %ge3A_320 : vector<16xi32>
      %lt3A = vector.broadcast %min3A_5 : i32 to vector<16xi32>
      %lt3A_322 = arith.cmpi slt, %add3A_319, %lt3A : vector<16xi32>
      %and3A_323 = arith.andi %ge3A_321, %lt3A_322 : vector<16xi1>
      %jit3A_324 = arith.constant 0xFF800000 : f32
      %broadcast_in_dim3A_325 = vector.broadcast %jit3A_324 : f32 to vector<16xf32>
      %select_n3A = arith.select %and3A_323, %get3A_314, %broadcast_in_dim3A_325 : vector<16xi1>, vector<16xf32>
      %max3A_326 = arith.maximumf %scan3A_309, %select_n3A : vector<16xf32>
      %jit3A_327 = arith.constant 0x7F800000 : f32
      %broadcast_in_dim3A_328 = vector.broadcast %jit3A_327 : f32 to vector<16xf32>
      %select_n3A_329 = arith.select %and3A_323, %get3A_314, %broadcast_in_dim3A_328 : vector<16xi1>, vector<16xf32>
      %min3A_330 = arith.minimumf %scan3A_310, %select_n3A_329 : vector<16xf32>
      scf.yield %max3A_326, %min3A_330 : vector<16xf32>, vector<16xf32>
    }
    %scan3A_194 = arith.constant 105 : i32
    %reduce_max3A = arith.constant true
    %reduce_max3A_195 = vector.broadcast %reduce_max3A : i1 to vector<16xi1>
    %reduce_max3A_196 = tpu.scan <max>, %scan3A_193#0 masked %reduce_max3A_195 : vector<16xf32>, vector<16xi1> -> vector<16xf32>
    %reduce_max3A_197 = vector.extract %reduce_max3A_196[15] : f32 from vector<16xf32>
    %reduce_min3A = arith.constant true
    %reduce_min3A_198 = vector.broadcast %reduce_min3A : i1 to vector<16xi1>
    %reduce_min3A_199 = tpu.scan <min>, %scan3A_193#1 masked %reduce_min3A_198 : vector<16xf32>, vector<16xi1> -> vector<16xf32>
    %reduce_min3A_200 = vector.extract %reduce_min3A_199[15] : f32 from vector<16xf32>
    %broadcast_in_dim3A_201 = arith.constant 5.120000e+02 : f32
    %broadcast_in_dim3A_202 = vector.broadcast %broadcast_in_dim3A_201 : f32 to vector<16xf32>
    %sub3A = arith.subf %reduce_max3A_197, %reduce_min3A_200 : f32
    %broadcast_in_dim3A_203 = vector.broadcast %sub3A : f32 to vector<16xf32>
    %max3A_204 = arith.constant 1.000000e-30 : f32
    %max3A_205 = vector.broadcast %max3A_204 : f32 to vector<16xf32>
    %max3A_206 = arith.maximumf %broadcast_in_dim3A_203, %max3A_205 : vector<16xf32>
    %div3A = arith.divf %broadcast_in_dim3A_202, %max3A_206 : vector<16xf32>
    %scan3A_207 = arith.constant 0 : i32
    %scan3A_208 = arith.constant 0 : i32
    %scan3A_209 = arith.constant 32 : i32
    %scan3A_210 = arith.addi %scan3A_208, %scan3A_209 : i32
    %scan3A_211 = arith.constant 1 : i32
    scf.for %scan3A_308 = %scan3A_208 to %scan3A_210 step %scan3A_211  : i32 {
      %broadcast_in_dim3A_309 = arith.constant 0.000000e+00 : f32
      %broadcast_in_dim3A_310 = vector.broadcast %broadcast_in_dim3A_309 : f32 to vector<16xf32>
      %mul3A_311 = arith.constant 16 : i32
      %mul3A_312 = arith.muli %scan3A_308, %mul3A_311 : i32
      %swap3A_313 = arith.index_cast %mul3A_312 : i32 to index
      %swap3A_314 = tpu.vector_load %arg11[%swap3A_313] {strides = array<i32>} : memref<512xf32, #tpu.memory_space<vmem>>, vector<16xf32>,
      tpu.vector_store %arg11[%swap3A_313], %broadcast_in_dim3A_310 {strides = array<i32>} : memref<512xf32, #tpu.memory_space<vmem>>, vector<16xf32>,
    }
    %scan3A_212 = arith.constant 32 : i32
    %broadcast_in_dim3A_213 = arith.constant 0.000000e+00 : f32
    %broadcast_in_dim3A_214 = vector.broadcast %broadcast_in_dim3A_213 : f32 to vector<16xf32>
    %scan3A_215 = arith.constant 0 : i32
    %scan3A_216 = arith.constant 105 : i32
    %scan3A_217 = arith.addi %scan3A_215, %scan3A_216 : i32
    %scan3A_218 = arith.constant 1 : i32
    %scan3A_219 = scf.for %scan3A_308 = %scan3A_215 to %scan3A_217 step %scan3A_218 iter_args(%scan3A_309 = %broadcast_in_dim3A_214) -> (vector<16xf32>)  : i32 {
      %mul3A_310 = arith.constant 16 : i32
      %mul3A_311 = arith.muli %scan3A_308, %mul3A_310 : i32
      %get3A_312 = arith.index_cast %mul3A_311 : i32 to index
      %get3A_313 = tpu.vector_load %arg9[%get3A_312] {strides = array<i32>} : memref<1680xf32, #tpu.memory_space<vmem>>, vector<16xf32>,
      %mul3A_314 = arith.constant 16 : i32
      %mul3A_315 = arith.muli %scan3A_308, %mul3A_314 : i32
      %add3A_316 = arith.addi %multiple_of3A, %mul3A_315 : i32
      %add3A_317 = vector.broadcast %add3A_316 : i32 to vector<16xi32>
      %add3A_318 = arith.addi %add3A_317, %iota3A : vector<16xi32>
      %ge3A_319 = vector.broadcast %mul3A_2 : i32 to vector<16xi32>
      %ge3A_320 = arith.cmpi sge, %add3A_318, %ge3A_319 : vector<16xi32>
      %lt3A = vector.broadcast %min3A_5 : i32 to vector<16xi32>
      %lt3A_321 = arith.cmpi slt, %add3A_318, %lt3A : vector<16xi32>
      %and3A_322 = arith.andi %ge3A_320, %lt3A_321 : vector<16xi1>
      %sub3A_323 = vector.broadcast %reduce_max3A_197 : f32 to vector<16xf32>
      %sub3A_324 = arith.subf %get3A_313, %sub3A_323 : vector<16xf32>
      %exp3A = math.exp %sub3A_324 : vector<16xf32>
      %jit3A_325 = arith.constant 0.000000e+00 : f32
      %broadcast_in_dim3A_326 = vector.broadcast %jit3A_325 : f32 to vector<16xf32>
      %select_n3A = arith.select %and3A_322, %exp3A, %broadcast_in_dim3A_326 : vector<16xi1>, vector<16xf32>
      %add3A_327 = arith.addf %scan3A_309, %select_n3A : vector<16xf32>
      %sub3A_328 = vector.broadcast %reduce_min3A_200 : f32 to vector<16xf32>
      %sub3A_329 = arith.subf %get3A_313, %sub3A_328 : vector<16xf32>
      %mul3A_330 = arith.mulf %sub3A_329, %div3A : vector<16xf32>
      %jit3A_331 = arith.constant 0.000000e+00 : f32
      %jit3A_332 = arith.constant 5.110000e+02 : f32
      %max3A_333 = vector.broadcast %jit3A_331 : f32 to vector<16xf32>
      %max3A_334 = arith.maximumf %max3A_333, %mul3A_330 : vector<16xf32>
      %min3A_335 = vector.broadcast %jit3A_332 : f32 to vector<16xf32>
      %min3A_336 = arith.minimumf %min3A_335, %max3A_334 : vector<16xf32>
      %convert_element_type3A = arith.fptosi %min3A_336 : vector<16xf32> to vector<16xi32>
      %jit3A_337 = arith.constant 0 : i32
      %broadcast_in_dim3A_338 = vector.broadcast %jit3A_337 : i32 to vector<16xi32>
      %select_n3A_339 = arith.select %and3A_322, %convert_element_type3A, %broadcast_in_dim3A_338 : vector<16xi1>, vector<16xi32>
      %mul3A_340 = arith.constant 16 : i32
      %mul3A_341 = arith.muli %scan3A_308, %mul3A_340 : i32
      %swap3A_342 = arith.index_cast %mul3A_341 : i32 to index
      %swap3A_343 = tpu.vector_load %arg10[%swap3A_342] {strides = array<i32>} : memref<1680xi32, #tpu.memory_space<vmem>>, vector<16xi32>,
      tpu.vector_store %arg10[%swap3A_342], %select_n3A_339 {strides = array<i32>} : memref<1680xi32, #tpu.memory_space<vmem>>, vector<16xi32>,
      %jit3A_344 = arith.constant 1.000000e+00 : f32
      %jit3A_345 = arith.constant 0.000000e+00 : f32
      %broadcast_in_dim3A_346 = vector.broadcast %jit3A_344 : f32 to vector<16xf32>
      %broadcast_in_dim3A_347 = vector.broadcast %jit3A_345 : f32 to vector<16xf32>
      %select_n3A_348 = arith.select %and3A_322, %broadcast_in_dim3A_346, %broadcast_in_dim3A_347 : vector<16xi1>, vector<16xf32>
      tpu.vector_store_idx %arg11[%select_n3A_339], %select_n3A_348 {add = true} : memref<512xf32, #tpu.memory_space<vmem>>[vector<16xi32>], vector<16xf32>,
      scf.yield %add3A_327 : vector<16xf32>
    }
    %scan3A_220 = arith.constant 105 : i32
    %scan3A_221 = arith.constant 0.000000e+00 : f32
    %scan3A_222 = arith.constant 0 : i32
    %scan3A_223 = arith.constant 6.400000e+01 : f32
    %scan3A_224 = arith.constant 0 : i32
    %scan3A_225 = arith.constant 32 : i32
    %scan3A_226 = arith.addi %scan3A_224, %scan3A_225 : i32
    %scan3A_227 = arith.constant 1 : i32
    %scan3A_228:3 = scf.for %scan3A_308 = %scan3A_224 to %scan3A_226 step %scan3A_227 iter_args(%scan3A_309 = %scan3A_221, %scan3A_310 = %scan3A_222, %scan3A_311 = %scan3A_223) -> (f32, i32, f32)  : i32 {
      %sub3A_312 = arith.constant 31 : i32
      %sub3A_313 = arith.subi %sub3A_312, %scan3A_308 : i32
      %mul3A_314 = arith.constant 16 : i32
      %mul3A_315 = arith.muli %sub3A_313, %mul3A_314 : i32
      %get3A_316 = arith.index_cast %mul3A_315 : i32 to index
      %get3A_317 = tpu.vector_load %arg11[%get3A_316] {strides = array<i32>} : memref<512xf32, #tpu.memory_space<vmem>>, vector<16xf32>,
      %reduce_sum3A = arith.constant true
      %reduce_sum3A_318 = vector.broadcast %reduce_sum3A : i1 to vector<16xi1>
      %reduce_sum3A_319 = tpu.scan <sum>, %get3A_317 masked %reduce_sum3A_318 : vector<16xf32>, vector<16xi1> -> vector<16xf32>
      %reduce_sum3A_320 = vector.extract %reduce_sum3A_319[15] : f32 from vector<16xf32>
      %add3A_321 = arith.addf %scan3A_309, %reduce_sum3A_320 : f32
      %lt3A = arith.constant 6.400000e+01 : f32
      %lt3A_322 = arith.cmpf olt, %scan3A_309, %lt3A : f32
      %ge3A_323 = arith.constant 6.400000e+01 : f32
      %ge3A_324 = arith.cmpf oge, %add3A_321, %ge3A_323 : f32
      %and3A_325 = arith.andi %lt3A_322, %ge3A_324 : i1
      %select_n3A = arith.select %and3A_325, %sub3A_313, %scan3A_310 : i32
      %sub3A_326 = arith.constant 6.400000e+01 : f32
      %sub3A_327 = arith.subf %sub3A_326, %scan3A_309 : f32
      %select_n3A_328 = arith.select %and3A_325, %sub3A_327, %scan3A_311 : f32
      scf.yield %add3A_321, %select_n3A, %select_n3A_328 : f32, i32, f32
    }
    %scan3A_229 = arith.constant 32 : i32
    %mul3A_230 = arith.constant 16 : i32
    %mul3A_231 = arith.muli %scan3A_228#1, %mul3A_230 : i32
    %get3A = arith.index_cast %mul3A_231 : i32 to index
    %get3A_232 = tpu.vector_load %arg11[%get3A] {strides = array<i32>} : memref<512xf32, #tpu.memory_space<vmem>>, vector<16xf32>,
    %rev3A = arith.constant 15 : i32
    %rev3A_233 = vector.broadcast %rev3A : i32 to vector<16xi32>
    %rev3A_234 = tpu.iota {dimensions = array<i32: 0>} : vector<16xi32>
    %rev3A_235 = arith.subi %rev3A_233, %rev3A_234 : vector<16xi32>
    %rev3A_236 = tpu.dynamic_gather %get3A_232[%rev3A_235] in [0] : vector<16xf32>, vector<16xi32> -> vector<16xf32>
    %cumsum3A = arith.constant true
    %cumsum3A_237 = vector.broadcast %cumsum3A : i1 to vector<16xi1>
    %cumsum3A_238 = tpu.scan <sum>, %rev3A_236 masked %cumsum3A_237 : vector<16xf32>, vector<16xi1> -> vector<16xf32>
    %ge3A = vector.broadcast %scan3A_228#2 : f32 to vector<16xf32>
    %ge3A_239 = arith.cmpf oge, %cumsum3A_238, %ge3A : vector<16xf32>
    %all_reduce_ffs3A = tpu.all_reduce %ge3A_239 {dim = 0 : i64, kind = #tpu.reduction_kind<find_first_set>} : vector<16xi1> -> vector<16xi32>
    %reduce_max3A_240 = arith.constant true
    %reduce_max3A_241 = vector.broadcast %reduce_max3A_240 : i1 to vector<16xi1>
    %reduce_max3A_242 = arith.constant -2147483648 : i32
    %reduce_max3A_243 = vector.broadcast %reduce_max3A_242 : i32 to vector<16xi32>
    %reduce_max3A_244 = arith.xori %all_reduce_ffs3A, %reduce_max3A_243 : vector<16xi32>
    %reduce_max3A_245 = tpu.scan <max>, %reduce_max3A_244 masked %reduce_max3A_241 : vector<16xi32>, vector<16xi1> -> vector<16xi32>
    %reduce_max3A_246 = arith.xori %reduce_max3A_245, %reduce_max3A_243 : vector<16xi32>
    %reduce_max3A_247 = vector.extract %reduce_max3A_246[15] : i32 from vector<16xi32>
    %mul3A_248 = arith.constant 16 : i32
    %mul3A_249 = arith.muli %scan3A_228#1, %mul3A_248 : i32
    %add3A_250 = arith.constant 15 : i32
    %add3A_251 = arith.addi %mul3A_249, %add3A_250 : i32
    %sub3A_252 = arith.subi %add3A_251, %reduce_max3A_247 : i32
    %broadcast_in_dim3A_253 = arith.constant 0xFF800000 : f32
    %broadcast_in_dim3A_254 = vector.broadcast %broadcast_in_dim3A_253 : f32 to vector<16xf32>
    %swap3A = arith.constant 0 : index
    %swap3A_255 = tpu.vector_load %arg12[%swap3A] {strides = array<i32>} : memref<1696xf32, #tpu.memory_space<vmem>>, vector<16xf32>,
    tpu.vector_store %arg12[%swap3A], %broadcast_in_dim3A_254 {strides = array<i32>} : memref<1696xf32, #tpu.memory_space<vmem>>, vector<16xf32>,
    %broadcast_in_dim3A_256 = arith.constant 0 : i32
    %broadcast_in_dim3A_257 = vector.broadcast %broadcast_in_dim3A_256 : i32 to vector<16xi32>
    %swap3A_258 = arith.constant 0 : index
    %swap3A_259 = tpu.vector_load %arg13[%swap3A_258] {strides = array<i32>} : memref<1696xi32, #tpu.memory_space<vmem>>, vector<16xi32>,
    tpu.vector_store %arg13[%swap3A_258], %broadcast_in_dim3A_257 {strides = array<i32>} : memref<1696xi32, #tpu.memory_space<vmem>>, vector<16xi32>,
    %broadcast_in_dim3A_260 = arith.constant 0xFF800000 : f32
    %broadcast_in_dim3A_261 = vector.broadcast %broadcast_in_dim3A_260 : f32 to vector<16xf32>
    %swap3A_262 = arith.constant 16 : index
    %swap3A_263 = tpu.vector_load %arg12[%swap3A_262] {strides = array<i32>} : memref<1696xf32, #tpu.memory_space<vmem>>, vector<16xf32>,
    tpu.vector_store %arg12[%swap3A_262], %broadcast_in_dim3A_261 {strides = array<i32>} : memref<1696xf32, #tpu.memory_space<vmem>>, vector<16xf32>,
    %broadcast_in_dim3A_264 = arith.constant 0 : i32
    %broadcast_in_dim3A_265 = vector.broadcast %broadcast_in_dim3A_264 : i32 to vector<16xi32>
    %swap3A_266 = arith.constant 16 : index
    %swap3A_267 = tpu.vector_load %arg13[%swap3A_266] {strides = array<i32>} : memref<1696xi32, #tpu.memory_space<vmem>>, vector<16xi32>,
    tpu.vector_store %arg13[%swap3A_266], %broadcast_in_dim3A_265 {strides = array<i32>} : memref<1696xi32, #tpu.memory_space<vmem>>, vector<16xi32>,
    %broadcast_in_dim3A_268 = arith.constant 0xFF800000 : f32
    %broadcast_in_dim3A_269 = vector.broadcast %broadcast_in_dim3A_268 : f32 to vector<16xf32>
    %swap3A_270 = arith.constant 32 : index
    %swap3A_271 = tpu.vector_load %arg12[%swap3A_270] {strides = array<i32>} : memref<1696xf32, #tpu.memory_space<vmem>>, vector<16xf32>,
    tpu.vector_store %arg12[%swap3A_270], %broadcast_in_dim3A_269 {strides = array<i32>} : memref<1696xf32, #tpu.memory_space<vmem>>, vector<16xf32>,
    %broadcast_in_dim3A_272 = arith.constant 0 : i32
    %broadcast_in_dim3A_273 = vector.broadcast %broadcast_in_dim3A_272 : i32 to vector<16xi32>
    %swap3A_274 = arith.constant 32 : index
    %swap3A_275 = tpu.vector_load %arg13[%swap3A_274] {strides = array<i32>} : memref<1696xi32, #tpu.memory_space<vmem>>, vector<16xi32>,
    tpu.vector_store %arg13[%swap3A_274], %broadcast_in_dim3A_273 {strides = array<i32>} : memref<1696xi32, #tpu.memory_space<vmem>>, vector<16xi32>,
    %broadcast_in_dim3A_276 = arith.constant 0xFF800000 : f32
    %broadcast_in_dim3A_277 = vector.broadcast %broadcast_in_dim3A_276 : f32 to vector<16xf32>
    %swap3A_278 = arith.constant 48 : index
    %swap3A_279 = tpu.vector_load %arg12[%swap3A_278] {strides = array<i32>} : memref<1696xf32, #tpu.memory_space<vmem>>, vector<16xf32>,
    tpu.vector_store %arg12[%swap3A_278], %broadcast_in_dim3A_277 {strides = array<i32>} : memref<1696xf32, #tpu.memory_space<vmem>>, vector<16xf32>,
    %broadcast_in_dim3A_280 = arith.constant 0 : i32
    %broadcast_in_dim3A_281 = vector.broadcast %broadcast_in_dim3A_280 : i32 to vector<16xi32>
    %swap3A_282 = arith.constant 48 : index
    %swap3A_283 = tpu.vector_load %arg13[%swap3A_282] {strides = array<i32>} : memref<1696xi32, #tpu.memory_space<vmem>>, vector<16xi32>,
    tpu.vector_store %arg13[%swap3A_282], %broadcast_in_dim3A_281 {strides = array<i32>} : memref<1696xi32, #tpu.memory_space<vmem>>, vector<16xi32>,
    %broadcast_in_dim3A_284 = arith.constant 0xFF800000 : f32
    %broadcast_in_dim3A_285 = vector.broadcast %broadcast_in_dim3A_284 : f32 to vector<16xf32>
    %swap3A_286 = arith.constant 64 : index
    %swap3A_287 = tpu.vector_load %arg12[%swap3A_286] {strides = array<i32>} : memref<1696xf32, #tpu.memory_space<vmem>>, vector<16xf32>,
    tpu.vector_store %arg12[%swap3A_286], %broadcast_in_dim3A_285 {strides = array<i32>} : memref<1696xf32, #tpu.memory_space<vmem>>, vector<16xf32>,
    %broadcast_in_dim3A_288 = arith.constant 0 : i32
    %broadcast_in_dim3A_289 = vector.broadcast %broadcast_in_dim3A_288 : i32 to vector<16xi32>
    %swap3A_290 = arith.constant 64 : index
    %swap3A_291 = tpu.vector_load %arg13[%swap3A_290] {strides = array<i32>} : memref<1696xi32, #tpu.memory_space<vmem>>, vector<16xi32>,
    tpu.vector_store %arg13[%swap3A_290], %broadcast_in_dim3A_289 {strides = array<i32>} : memref<1696xi32, #tpu.memory_space<vmem>>, vector<16xi32>,
    %scan3A_292 = arith.constant 0 : i32
    %scan3A_293 = arith.constant 0 : i32
    %scan3A_294 = arith.constant 105 : i32
    %scan3A_295 = arith.addi %scan3A_293, %scan3A_294 : i32
    %scan3A_296 = arith.constant 1 : i32
    %scan3A_297 = scf.for %scan3A_308 = %scan3A_293 to %scan3A_295 step %scan3A_296 iter_args(%scan3A_309 = %scan3A_292) -> (i32)  : i32 {
      %mul3A_310 = arith.constant 16 : i32
      %mul3A_311 = arith.muli %scan3A_308, %mul3A_310 : i32
      %get3A_312 = arith.index_cast %mul3A_311 : i32 to index
      %get3A_313 = tpu.vector_load %arg10[%get3A_312] {strides = array<i32>} : memref<1680xi32, #tpu.memory_space<vmem>>, vector<16xi32>,
      %mul3A_314 = arith.constant 16 : i32
      %mul3A_315 = arith.muli %scan3A_308, %mul3A_314 : i32
      %add3A_316 = arith.addi %multiple_of3A, %mul3A_315 : i32
      %add3A_317 = vector.broadcast %add3A_316 : i32 to vector<16xi32>
      %add3A_318 = arith.addi %add3A_317, %iota3A : vector<16xi32>
      %ge3A_319 = vector.broadcast %sub3A_252 : i32 to vector<16xi32>
      %ge3A_320 = arith.cmpi sge, %get3A_313, %ge3A_319 : vector<16xi32>
      %ge3A_321 = vector.broadcast %mul3A_2 : i32 to vector<16xi32>
      %ge3A_322 = arith.cmpi sge, %add3A_318, %ge3A_321 : vector<16xi32>
      %and3A_323 = arith.andi %ge3A_320, %ge3A_322 : vector<16xi1>
      %lt3A = vector.broadcast %min3A_5 : i32 to vector<16xi32>
      %lt3A_324 = arith.cmpi slt, %add3A_318, %lt3A : vector<16xi32>
      %and3A_325 = arith.andi %and3A_323, %lt3A_324 : vector<16xi1>
      %mul3A_326 = arith.constant 16 : i32
      %mul3A_327 = arith.muli %scan3A_308, %mul3A_326 : i32
      %get3A_328 = arith.index_cast %mul3A_327 : i32 to index
      %get3A_329 = tpu.vector_load %arg9[%get3A_328] {strides = array<i32>} : memref<1680xf32, #tpu.memory_space<vmem>>, vector<16xf32>,
      %swap3A_330 = arith.index_cast %scan3A_309 : i32 to index
      %swap3A_331 = tpu.vector_load %arg12[%swap3A_330] masked %and3A_325 {strides = array<i32>} : memref<1696xf32, #tpu.memory_space<vmem>>, vector<16xf32>, vector<16xi1>
      tpu.vector_store %arg12[%swap3A_330], %get3A_329 masked %and3A_325 {strides = array<i32>} : memref<1696xf32, #tpu.memory_space<vmem>>, vector<16xf32>, vector<16xi1>
      %mul3A_332 = arith.constant 16 : i32
      %mul3A_333 = arith.muli %scan3A_308, %mul3A_332 : i32
      %get3A_334 = arith.index_cast %mul3A_333 : i32 to index
      %get3A_335 = tpu.vector_load %arg8[%get3A_334] {strides = array<i32>} : memref<1680xi32, #tpu.memory_space<vmem>>, vector<16xi32>,
      %swap3A_336 = arith.index_cast %scan3A_309 : i32 to index
      %swap3A_337 = tpu.vector_load %arg13[%swap3A_336] masked %and3A_325 {strides = array<i32>} : memref<1696xi32, #tpu.memory_space<vmem>>, vector<16xi32>, vector<16xi1>
      tpu.vector_store %arg13[%swap3A_336], %get3A_335 masked %and3A_325 {strides = array<i32>} : memref<1696xi32, #tpu.memory_space<vmem>>, vector<16xi32>, vector<16xi1>
      %all_reduce_population_count3A = tpu.all_reduce %and3A_325 {dim = 0 : i64, kind = #tpu.reduction_kind<sum>} : vector<16xi1> -> vector<16xi32>
      %reduce_max3A_338 = arith.constant true
      %reduce_max3A_339 = vector.broadcast %reduce_max3A_338 : i1 to vector<16xi1>
      %reduce_max3A_340 = arith.constant -2147483648 : i32
      %reduce_max3A_341 = vector.broadcast %reduce_max3A_340 : i32 to vector<16xi32>
      %reduce_max3A_342 = arith.xori %all_reduce_population_count3A, %reduce_max3A_341 : vector<16xi32>
      %reduce_max3A_343 = tpu.scan <max>, %reduce_max3A_342 masked %reduce_max3A_339 : vector<16xi32>, vector<16xi1> -> vector<16xi32>
      %reduce_max3A_344 = arith.xori %reduce_max3A_343, %reduce_max3A_341 : vector<16xi32>
      %reduce_max3A_345 = vector.extract %reduce_max3A_344[15] : i32 from vector<16xi32>
      %add3A_346 = arith.addi %scan3A_309, %reduce_max3A_345 : i32
      scf.yield %add3A_346 : i32
    }
    %scan3A_298 = arith.constant 105 : i32
    %mul3A_299 = arith.constant 80 : i32
    %mul3A_300 = arith.muli %add3A, %mul3A_299 : i32
    "tpu.region"() ({
      %run_scoped3A = tpu.sem_alloc : memref<!tpu.dma_semaphore, #tpu.memory_space<semaphore_mem>>
      %dma_start3A_308 = arith.constant 0 : i32
      %dma_start3A_309 = tpu.memref_slice %arg12[%dma_start3A_308] : memref<1696xf32, #tpu.memory_space<vmem>> -> memref<80xf32, #tpu.memory_space<vmem>>
      %dma_start3A_310 = tpu.memref_slice %arg4[%mul3A_300] : memref<2560xf32, #tpu.memory_space<hbm>> -> memref<80xf32, #tpu.memory_space<hbm>>
      %dma_start3A_311 = tpu.memref_slice %arg4[%mul3A_300] : memref<2560xf32, #tpu.memory_space<hbm>> -> memref<80xf32, #tpu.memory_space<hbm>>
      %dma_start3A_312 = arith.constant 0 : i32
      %dma_start3A_313 = tpu.memref_slice %arg12[%dma_start3A_312] : memref<1696xf32, #tpu.memory_space<vmem>> -> memref<80xf32, #tpu.memory_space<vmem>>
      tpu.enqueue_dma source(%dma_start3A_313 : memref<80xf32, #tpu.memory_space<vmem>>) target(%dma_start3A_311 : memref<80xf32, #tpu.memory_space<hbm>>) target_semaphore(%run_scoped3A : memref<!tpu.dma_semaphore, #tpu.memory_space<semaphore_mem>>)
      %dma_wait3A_314 = arith.constant 0 : i32
      %dma_wait3A_315 = tpu.memref_slice %arg12[%dma_wait3A_314] : memref<1696xf32, #tpu.memory_space<vmem>> -> memref<80xf32, #tpu.memory_space<vmem>>
      %dma_wait3A_316 = tpu.memref_slice %arg4[%mul3A_300] : memref<2560xf32, #tpu.memory_space<hbm>> -> memref<80xf32, #tpu.memory_space<hbm>>
      %dma_wait3A_317 = tpu.memref_slice %arg4[%mul3A_300] : memref<2560xf32, #tpu.memory_space<hbm>> -> memref<80xf32, #tpu.memory_space<hbm>>
      %dma_wait3A_318 = arith.constant 0 : i32
      %dma_wait3A_319 = tpu.memref_slice %arg12[%dma_wait3A_318] : memref<1696xf32, #tpu.memory_space<vmem>> -> memref<80xf32, #tpu.memory_space<vmem>>
      tpu.wait_dma2 semaphore(%run_scoped3A : memref<!tpu.dma_semaphore, #tpu.memory_space<semaphore_mem>>) src(%dma_wait3A_319 : memref<80xf32, #tpu.memory_space<vmem>>) dst(%dma_wait3A_317 : memref<80xf32, #tpu.memory_space<hbm>>)
      tpu.yield
    }) : () -> ()
    %mul3A_301 = arith.constant 80 : i32
    %mul3A_302 = arith.muli %add3A, %mul3A_301 : i32
    "tpu.region"() ({
      %run_scoped3A = tpu.sem_alloc : memref<!tpu.dma_semaphore, #tpu.memory_space<semaphore_mem>>
      %dma_start3A_308 = arith.constant 0 : i32
      %dma_start3A_309 = tpu.memref_slice %arg13[%dma_start3A_308] : memref<1696xi32, #tpu.memory_space<vmem>> -> memref<80xi32, #tpu.memory_space<vmem>>
      %dma_start3A_310 = tpu.memref_slice %arg5[%mul3A_302] : memref<2560xi32, #tpu.memory_space<hbm>> -> memref<80xi32, #tpu.memory_space<hbm>>
      %dma_start3A_311 = tpu.memref_slice %arg5[%mul3A_302] : memref<2560xi32, #tpu.memory_space<hbm>> -> memref<80xi32, #tpu.memory_space<hbm>>
      %dma_start3A_312 = arith.constant 0 : i32
      %dma_start3A_313 = tpu.memref_slice %arg13[%dma_start3A_312] : memref<1696xi32, #tpu.memory_space<vmem>> -> memref<80xi32, #tpu.memory_space<vmem>>
      tpu.enqueue_dma source(%dma_start3A_313 : memref<80xi32, #tpu.memory_space<vmem>>) target(%dma_start3A_311 : memref<80xi32, #tpu.memory_space<hbm>>) target_semaphore(%run_scoped3A : memref<!tpu.dma_semaphore, #tpu.memory_space<semaphore_mem>>)
      %dma_wait3A_314 = arith.constant 0 : i32
      %dma_wait3A_315 = tpu.memref_slice %arg13[%dma_wait3A_314] : memref<1696xi32, #tpu.memory_space<vmem>> -> memref<80xi32, #tpu.memory_space<vmem>>
      %dma_wait3A_316 = tpu.memref_slice %arg5[%mul3A_302] : memref<2560xi32, #tpu.memory_space<hbm>> -> memref<80xi32, #tpu.memory_space<hbm>>
      %dma_wait3A_317 = tpu.memref_slice %arg5[%mul3A_302] : memref<2560xi32, #tpu.memory_space<hbm>> -> memref<80xi32, #tpu.memory_space<hbm>>
      %dma_wait3A_318 = arith.constant 0 : i32
      %dma_wait3A_319 = tpu.memref_slice %arg13[%dma_wait3A_318] : memref<1696xi32, #tpu.memory_space<vmem>> -> memref<80xi32, #tpu.memory_space<vmem>>
      tpu.wait_dma2 semaphore(%run_scoped3A : memref<!tpu.dma_semaphore, #tpu.memory_space<semaphore_mem>>) src(%dma_wait3A_319 : memref<80xi32, #tpu.memory_space<vmem>>) dst(%dma_wait3A_317 : memref<80xi32, #tpu.memory_space<hbm>>)
      tpu.yield
    }) : () -> ()
    %broadcast_in_dim3A_303 = vector.broadcast %reduce_max3A_197 : f32 to vector<16xf32>
    %swap3A_304 = arith.constant 0 : index
    %swap3A_305 = tpu.vector_load %arg14[%swap3A_304] {strides = array<i32>} : memref<16xf32, #tpu.memory_space<vmem>>, vector<16xf32>,
    tpu.vector_store %arg14[%swap3A_304], %broadcast_in_dim3A_303 {strides = array<i32>} : memref<16xf32, #tpu.memory_space<vmem>>, vector<16xf32>,
    "tpu.region"() ({
      %run_scoped3A = tpu.sem_alloc : memref<!tpu.dma_semaphore, #tpu.memory_space<semaphore_mem>>
      %dma_start3A_308 = arith.constant 0 : i32
      %dma_start3A_309 = tpu.memref_slice %arg6[%add3A, %dma_start3A_308] : memref<32x16xf32, #tpu.memory_space<hbm>> -> memref<1x16xf32, #tpu.memory_space<hbm>>
      %dma_start3A_310 = tpu.memref_squeeze %dma_start3A_309 : memref<1x16xf32, #tpu.memory_space<hbm>> -> memref<16xf32, #tpu.memory_space<hbm>>
      %dma_start3A_311 = arith.constant 0 : i32
      %dma_start3A_312 = tpu.memref_slice %arg6[%add3A, %dma_start3A_311] : memref<32x16xf32, #tpu.memory_space<hbm>> -> memref<1x16xf32, #tpu.memory_space<hbm>>
      %dma_start3A_313 = tpu.memref_squeeze %dma_start3A_312 : memref<1x16xf32, #tpu.memory_space<hbm>> -> memref<16xf32, #tpu.memory_space<hbm>>
      tpu.enqueue_dma source(%arg14 : memref<16xf32, #tpu.memory_space<vmem>>) target(%dma_start3A_313 : memref<16xf32, #tpu.memory_space<hbm>>) target_semaphore(%run_scoped3A : memref<!tpu.dma_semaphore, #tpu.memory_space<semaphore_mem>>)
      %dma_wait3A_314 = arith.constant 0 : i32
      %dma_wait3A_315 = tpu.memref_slice %arg6[%add3A, %dma_wait3A_314] : memref<32x16xf32, #tpu.memory_space<hbm>> -> memref<1x16xf32, #tpu.memory_space<hbm>>
      %dma_wait3A_316 = tpu.memref_squeeze %dma_wait3A_315 : memref<1x16xf32, #tpu.memory_space<hbm>> -> memref<16xf32, #tpu.memory_space<hbm>>
      %dma_wait3A_317 = arith.constant 0 : i32
      %dma_wait3A_318 = tpu.memref_slice %arg6[%add3A, %dma_wait3A_317] : memref<32x16xf32, #tpu.memory_space<hbm>> -> memref<1x16xf32, #tpu.memory_space<hbm>>
      %dma_wait3A_319 = tpu.memref_squeeze %dma_wait3A_318 : memref<1x16xf32, #tpu.memory_space<hbm>> -> memref<16xf32, #tpu.memory_space<hbm>>
      tpu.wait_dma2 semaphore(%run_scoped3A : memref<!tpu.dma_semaphore, #tpu.memory_space<semaphore_mem>>) src(%arg14 : memref<16xf32, #tpu.memory_space<vmem>>) dst(%dma_wait3A_319 : memref<16xf32, #tpu.memory_space<hbm>>)
      tpu.yield
    }) : () -> ()
    %swap3A_306 = arith.constant 0 : index
    %swap3A_307 = tpu.vector_load %arg14[%swap3A_306] {strides = array<i32>} : memref<16xf32, #tpu.memory_space<vmem>>, vector<16xf32>,
    tpu.vector_store %arg14[%swap3A_306], %scan3A_219 {strides = array<i32>} : memref<16xf32, #tpu.memory_space<vmem>>, vector<16xf32>,
    "tpu.region"() ({
      %run_scoped3A = tpu.sem_alloc : memref<!tpu.dma_semaphore, #tpu.memory_space<semaphore_mem>>
      %dma_start3A_308 = arith.constant 0 : i32
      %dma_start3A_309 = tpu.memref_slice %arg7[%add3A, %dma_start3A_308] : memref<32x16xf32, #tpu.memory_space<hbm>> -> memref<1x16xf32, #tpu.memory_space<hbm>>
      %dma_start3A_310 = tpu.memref_squeeze %dma_start3A_309 : memref<1x16xf32, #tpu.memory_space<hbm>> -> memref<16xf32, #tpu.memory_space<hbm>>
      %dma_start3A_311 = arith.constant 0 : i32
      %dma_start3A_312 = tpu.memref_slice %arg7[%add3A, %dma_start3A_311] : memref<32x16xf32, #tpu.memory_space<hbm>> -> memref<1x16xf32, #tpu.memory_space<hbm>>
      %dma_start3A_313 = tpu.memref_squeeze %dma_start3A_312 : memref<1x16xf32, #tpu.memory_space<hbm>> -> memref<16xf32, #tpu.memory_space<hbm>>
      tpu.enqueue_dma source(%arg14 : memref<16xf32, #tpu.memory_space<vmem>>) target(%dma_start3A_313 : memref<16xf32, #tpu.memory_space<hbm>>) target_semaphore(%run_scoped3A : memref<!tpu.dma_semaphore, #tpu.memory_space<semaphore_mem>>)
      %dma_wait3A_314 = arith.constant 0 : i32
      %dma_wait3A_315 = tpu.memref_slice %arg7[%add3A, %dma_wait3A_314] : memref<32x16xf32, #tpu.memory_space<hbm>> -> memref<1x16xf32, #tpu.memory_space<hbm>>
      %dma_wait3A_316 = tpu.memref_squeeze %dma_wait3A_315 : memref<1x16xf32, #tpu.memory_space<hbm>> -> memref<16xf32, #tpu.memory_space<hbm>>
      %dma_wait3A_317 = arith.constant 0 : i32
      %dma_wait3A_318 = tpu.memref_slice %arg7[%add3A, %dma_wait3A_317] : memref<32x16xf32, #tpu.memory_space<hbm>> -> memref<1x16xf32, #tpu.memory_space<hbm>>
      %dma_wait3A_319 = tpu.memref_squeeze %dma_wait3A_318 : memref<1x16xf32, #tpu.memory_space<hbm>> -> memref<16xf32, #tpu.memory_space<hbm>>
      tpu.wait_dma2 semaphore(%run_scoped3A : memref<!tpu.dma_semaphore, #tpu.memory_space<semaphore_mem>>) src(%arg14 : memref<16xf32, #tpu.memory_space<vmem>>) dst(%dma_wait3A_319 : memref<16xf32, #tpu.memory_space<hbm>>)
      tpu.yield
    }) : () -> ()
    return
  }
}

module attributes {stable_mosaic.version = 14 : i64} {
  func.func @_mlp_body(%arg0: i32, %arg1: memref<10240x128xf32, #tpu.memory_space<vmem>>, %arg2: memref<128x128xf32, #tpu.memory_space<vmem>>, %arg3: memref<128xf32, #tpu.memory_space<vmem>>, %arg4: memref<128x64xf32, #tpu.memory_space<vmem>>, %arg5: memref<64xf32, #tpu.memory_space<vmem>>, %arg6: memref<64x1xf32, #tpu.memory_space<vmem>>, %arg7: memref<1xf32, #tpu.memory_space<vmem>>, %arg8: memref<10240xf32, #tpu.memory_space<vmem>>) attributes {dimension_semantics = [#tpu.dimension_semantics<arbitrary>], iteration_bounds = array<i64: 10>, scalar_prefetch = 0 : i64, scratch_operands = 0 : i64, tpu.core_type = #tpu.core_type<tc>, window_params = [{transform_indices = @transform_0, window_bounds = array<i64: 10240, 128>}, {pipeline_mode = #tpu.pipeline_mode<synchronous>, transform_indices = @transform_1, window_bounds = array<i64: 128, 128>}, {pipeline_mode = #tpu.pipeline_mode<synchronous>, transform_indices = @transform_2, window_bounds = array<i64: 128>}, {pipeline_mode = #tpu.pipeline_mode<synchronous>, transform_indices = @transform_3, window_bounds = array<i64: 128, 64>}, {pipeline_mode = #tpu.pipeline_mode<synchronous>, transform_indices = @transform_4, window_bounds = array<i64: 64>}, {pipeline_mode = #tpu.pipeline_mode<synchronous>, transform_indices = @transform_5, window_bounds = array<i64: 64, 1>}, {pipeline_mode = #tpu.pipeline_mode<synchronous>, transform_indices = @transform_6, window_bounds = array<i64: 1>}, {transform_indices = @transform_7, window_bounds = array<i64: 10240>}]} {
    %get3A = arith.constant 0 : index
    %get3A_0 = arith.constant 0 : index
    %get3A_1 = vector.load %arg1[%get3A, %get3A_0] : memref<10240x128xf32, #tpu.memory_space<vmem>>, vector<10240x128xf32>
    %get3A_2 = arith.constant 0 : index
    %get3A_3 = arith.constant 0 : index
    %get3A_4 = vector.load %arg2[%get3A_2, %get3A_3] : memref<128x128xf32, #tpu.memory_space<vmem>>, vector<128x128xf32>
    %dot_general3A = arith.constant dense<0.000000e+00> : vector<10240x128xf32>
    %dot_general3A_5 = tpu.matmul %get3A_1, %get3A_4, %dot_general3A {dimension_numbers = #tpu.dot_dimension_numbers<[1], [0], [0], [1], [0, 0, 1, 1], [], []>, transpose_lhs_hint = false} : vector<10240x128xf32>, vector<128x128xf32>, vector<10240x128xf32> -> vector<10240x128xf32>
    %get3A_6 = arith.constant 0 : index
    %get3A_7 = vector.load %arg3[%get3A_6] : memref<128xf32, #tpu.memory_space<vmem>>, vector<128xf32>
    %broadcast_in_dim3A = vector.shape_cast %get3A_7 : vector<128xf32> to vector<1x128xf32>
    %add3A = vector.broadcast %broadcast_in_dim3A : vector<1x128xf32> to vector<10240x128xf32>
    %add3A_8 = arith.addf %dot_general3A_5, %add3A : vector<10240x128xf32>
    %max3A = arith.constant 0.000000e+00 : f32
    %max3A_9 = vector.broadcast %max3A : f32 to vector<10240x128xf32>
    %max3A_10 = arith.maximumf %add3A_8, %max3A_9 : vector<10240x128xf32>
    %get3A_11 = arith.constant 0 : index
    %get3A_12 = arith.constant 0 : index
    %get3A_13 = vector.load %arg4[%get3A_11, %get3A_12] : memref<128x64xf32, #tpu.memory_space<vmem>>, vector<128x64xf32>
    %dot_general3A_14 = arith.constant dense<0.000000e+00> : vector<10240x64xf32>
    %dot_general3A_15 = tpu.matmul %max3A_10, %get3A_13, %dot_general3A_14 {dimension_numbers = #tpu.dot_dimension_numbers<[1], [0], [0], [1], [0, 0, 1, 1], [], []>, transpose_lhs_hint = false} : vector<10240x128xf32>, vector<128x64xf32>, vector<10240x64xf32> -> vector<10240x64xf32>
    %get3A_16 = arith.constant 0 : index
    %get3A_17 = vector.load %arg5[%get3A_16] : memref<64xf32, #tpu.memory_space<vmem>>, vector<64xf32>
    %broadcast_in_dim3A_18 = vector.shape_cast %get3A_17 : vector<64xf32> to vector<1x64xf32>
    %add3A_19 = vector.broadcast %broadcast_in_dim3A_18 : vector<1x64xf32> to vector<10240x64xf32>
    %add3A_20 = arith.addf %dot_general3A_15, %add3A_19 : vector<10240x64xf32>
    %max3A_21 = arith.constant 0.000000e+00 : f32
    %max3A_22 = vector.broadcast %max3A_21 : f32 to vector<10240x64xf32>
    %max3A_23 = arith.maximumf %add3A_20, %max3A_22 : vector<10240x64xf32>
    %get3A_24 = arith.constant 0 : index
    %get3A_25 = arith.constant 0 : index
    %get3A_26 = vector.load %arg6[%get3A_24, %get3A_25] : memref<64x1xf32, #tpu.memory_space<vmem>>, vector<64x1xf32>
    %dot_general3A_27 = arith.constant dense<0.000000e+00> : vector<10240x1xf32>
    %dot_general3A_28 = tpu.matmul %max3A_23, %get3A_26, %dot_general3A_27 {dimension_numbers = #tpu.dot_dimension_numbers<[1], [0], [0], [1], [0, 0, 1, 1], [], []>, transpose_lhs_hint = false} : vector<10240x64xf32>, vector<64x1xf32>, vector<10240x1xf32> -> vector<10240x1xf32>
    %get3A_29 = arith.constant 0 : index
    %get3A_30 = vector.load %arg7[%get3A_29] : memref<1xf32, #tpu.memory_space<vmem>>, vector<1xf32>
    %broadcast_in_dim3A_31 = vector.shape_cast %get3A_30 : vector<1xf32> to vector<1x1xf32>
    %add3A_32 = vector.broadcast %broadcast_in_dim3A_31 : vector<1x1xf32> to vector<10240x1xf32>
    %add3A_33 = arith.addf %dot_general3A_28, %add3A_32 : vector<10240x1xf32>
    %reshape3A = vector.shape_cast %add3A_33 : vector<10240x1xf32> to vector<10240xf32>
    %swap3A = arith.constant 0 : index
    %swap3A_34 = vector.load %arg8[%swap3A] : memref<10240xf32, #tpu.memory_space<vmem>>, vector<10240xf32>
    tpu.vector_store %arg8[%swap3A], %reshape3A {strides = array<i32>} : memref<10240xf32, #tpu.memory_space<vmem>>, vector<10240xf32>,
    return
  }
  func.func @transform_0(%arg0: i32) -> (i32, i32) {
    %c0_i32 = arith.constant 0 : i32
    %c0_i32_0 = arith.constant 0 : i32
    return %arg0, %c0_i32 : i32, i32
  }
  func.func @transform_1(%arg0: i32) -> (i32, i32) {
    %c0_i32 = arith.constant 0 : i32
    %c0_i32_0 = arith.constant 0 : i32
    %c0_i32_1 = arith.constant 0 : i32
    return %c0_i32, %c0_i32_0 : i32, i32
  }
  func.func @transform_2(%arg0: i32) -> i32 {
    %c0_i32 = arith.constant 0 : i32
    %c0_i32_0 = arith.constant 0 : i32
    return %c0_i32 : i32
  }
  func.func @transform_3(%arg0: i32) -> (i32, i32) {
    %c0_i32 = arith.constant 0 : i32
    %c0_i32_0 = arith.constant 0 : i32
    %c0_i32_1 = arith.constant 0 : i32
    return %c0_i32, %c0_i32_0 : i32, i32
  }
  func.func @transform_4(%arg0: i32) -> i32 {
    %c0_i32 = arith.constant 0 : i32
    %c0_i32_0 = arith.constant 0 : i32
    return %c0_i32 : i32
  }
  func.func @transform_5(%arg0: i32) -> (i32, i32) {
    %c0_i32 = arith.constant 0 : i32
    %c0_i32_0 = arith.constant 0 : i32
    %c0_i32_1 = arith.constant 0 : i32
    return %c0_i32, %c0_i32_0 : i32, i32
  }
  func.func @transform_6(%arg0: i32) -> i32 {
    %c0_i32 = arith.constant 0 : i32
    %c0_i32_0 = arith.constant 0 : i32
    return %c0_i32 : i32
  }
  func.func @transform_7(%arg0: i32) -> i32 {
    %c0_i32 = arith.constant 0 : i32
    return %arg0 : i32
  }
}

module attributes {stable_mosaic.version = 14 : i64} {
  func.func @_rank_body(%arg0: memref<20x128xf32, #tpu.memory_space<vmem>>, %arg1: memref<20x128xi32, #tpu.memory_space<vmem>>, %arg2: memref<32x16xf32, #tpu.memory_space<vmem>>, %arg3: memref<32x16xf32, #tpu.memory_space<vmem>>, %arg4: memref<1024x1xf32, #tpu.memory_space<vmem>>, %arg5: memref<1024x1xi32, #tpu.memory_space<vmem>>) attributes {dimension_semantics = [], scalar_prefetch = 0 : i64, scratch_operands = 0 : i64, tpu.core_type = #tpu.core_type<tc>} {
    %get3A = arith.constant 0 : index
    %get3A_0 = arith.constant 0 : index
    %get3A_1 = vector.load %arg0[%get3A, %get3A_0] : memref<20x128xf32, #tpu.memory_space<vmem>>, vector<20x128xf32>
    %slice3A = vector.extract_strided_slice %get3A_1 {offsets = [0, 0], sizes = [1, 128], strides = [1, 1]} : vector<20x128xf32> to vector<1x128xf32>
    %slice3A_2 = vector.extract_strided_slice %get3A_1 {offsets = [1, 0], sizes = [1, 128], strides = [1, 1]} : vector<20x128xf32> to vector<1x128xf32>
    %slice3A_3 = vector.extract_strided_slice %get3A_1 {offsets = [2, 0], sizes = [1, 128], strides = [1, 1]} : vector<20x128xf32> to vector<1x128xf32>
    %slice3A_4 = vector.extract_strided_slice %get3A_1 {offsets = [3, 0], sizes = [1, 128], strides = [1, 1]} : vector<20x128xf32> to vector<1x128xf32>
    %slice3A_5 = vector.extract_strided_slice %get3A_1 {offsets = [4, 0], sizes = [1, 128], strides = [1, 1]} : vector<20x128xf32> to vector<1x128xf32>
    %slice3A_6 = vector.extract_strided_slice %get3A_1 {offsets = [5, 0], sizes = [1, 128], strides = [1, 1]} : vector<20x128xf32> to vector<1x128xf32>
    %slice3A_7 = vector.extract_strided_slice %get3A_1 {offsets = [6, 0], sizes = [1, 128], strides = [1, 1]} : vector<20x128xf32> to vector<1x128xf32>
    %slice3A_8 = vector.extract_strided_slice %get3A_1 {offsets = [7, 0], sizes = [1, 128], strides = [1, 1]} : vector<20x128xf32> to vector<1x128xf32>
    %slice3A_9 = vector.extract_strided_slice %get3A_1 {offsets = [8, 0], sizes = [1, 128], strides = [1, 1]} : vector<20x128xf32> to vector<1x128xf32>
    %slice3A_10 = vector.extract_strided_slice %get3A_1 {offsets = [9, 0], sizes = [1, 128], strides = [1, 1]} : vector<20x128xf32> to vector<1x128xf32>
    %slice3A_11 = vector.extract_strided_slice %get3A_1 {offsets = [10, 0], sizes = [1, 128], strides = [1, 1]} : vector<20x128xf32> to vector<1x128xf32>
    %slice3A_12 = vector.extract_strided_slice %get3A_1 {offsets = [11, 0], sizes = [1, 128], strides = [1, 1]} : vector<20x128xf32> to vector<1x128xf32>
    %slice3A_13 = vector.extract_strided_slice %get3A_1 {offsets = [12, 0], sizes = [1, 128], strides = [1, 1]} : vector<20x128xf32> to vector<1x128xf32>
    %slice3A_14 = vector.extract_strided_slice %get3A_1 {offsets = [13, 0], sizes = [1, 128], strides = [1, 1]} : vector<20x128xf32> to vector<1x128xf32>
    %slice3A_15 = vector.extract_strided_slice %get3A_1 {offsets = [14, 0], sizes = [1, 128], strides = [1, 1]} : vector<20x128xf32> to vector<1x128xf32>
    %slice3A_16 = vector.extract_strided_slice %get3A_1 {offsets = [15, 0], sizes = [1, 128], strides = [1, 1]} : vector<20x128xf32> to vector<1x128xf32>
    %slice3A_17 = vector.extract_strided_slice %get3A_1 {offsets = [16, 0], sizes = [1, 128], strides = [1, 1]} : vector<20x128xf32> to vector<1x128xf32>
    %slice3A_18 = vector.extract_strided_slice %get3A_1 {offsets = [17, 0], sizes = [1, 128], strides = [1, 1]} : vector<20x128xf32> to vector<1x128xf32>
    %slice3A_19 = vector.extract_strided_slice %get3A_1 {offsets = [18, 0], sizes = [1, 128], strides = [1, 1]} : vector<20x128xf32> to vector<1x128xf32>
    %slice3A_20 = vector.extract_strided_slice %get3A_1 {offsets = [19, 0], sizes = [1, 128], strides = [1, 1]} : vector<20x128xf32> to vector<1x128xf32>
    %concatenate3A = tpu.concatenate %slice3A, %slice3A_2, %slice3A_3, %slice3A_4, %slice3A_5, %slice3A_6, %slice3A_7, %slice3A_8, %slice3A_9, %slice3A_10, %slice3A_11, %slice3A_12, %slice3A_13, %slice3A_14, %slice3A_15, %slice3A_16, %slice3A_17, %slice3A_18, %slice3A_19, %slice3A_20 in 1 : vector<1x128xf32>, vector<1x128xf32>, vector<1x128xf32>, vector<1x128xf32>, vector<1x128xf32>, vector<1x128xf32>, vector<1x128xf32>, vector<1x128xf32>, vector<1x128xf32>, vector<1x128xf32>, vector<1x128xf32>, vector<1x128xf32>, vector<1x128xf32>, vector<1x128xf32>, vector<1x128xf32>, vector<1x128xf32>, vector<1x128xf32>, vector<1x128xf32>, vector<1x128xf32>, vector<1x128xf32> -> vector<1x2560xf32>
    %reduce_max3A = vector.shape_cast %concatenate3A : vector<1x2560xf32> to vector<1x1x2560xf32>
    %reduce_max3A_21 = arith.constant dense<0xFF800000> : vector<1xf32>
    %reduce_max3A_22 = vector.multi_reduction <maximumf>, %reduce_max3A, %reduce_max3A_21 [1, 2] : vector<1x1x2560xf32> to vector<1xf32>
    %reduce_max3A_23 = vector.shape_cast %reduce_max3A_22 : vector<1xf32> to vector<1x1x1xf32>
    %reduce_max3A_24 = vector.extract %reduce_max3A_23[0, 0, 0] : f32 from vector<1x1x1xf32>
    %sub3A = vector.broadcast %reduce_max3A_24 : f32 to vector<1x2560xf32>
    %sub3A_25 = arith.subf %concatenate3A, %sub3A : vector<1x2560xf32>
    %exp3A = math.exp %sub3A_25 : vector<1x2560xf32>
    %get3A_26 = arith.constant 0 : index
    %get3A_27 = arith.constant 0 : index
    %get3A_28 = vector.load %arg3[%get3A_26, %get3A_27] : memref<32x16xf32, #tpu.memory_space<vmem>>, vector<32x16xf32>
    %get3A_29 = arith.constant 0 : index
    %get3A_30 = arith.constant 0 : index
    %get3A_31 = vector.load %arg2[%get3A_29, %get3A_30] : memref<32x16xf32, #tpu.memory_space<vmem>>, vector<32x16xf32>
    %sub3A_32 = vector.broadcast %reduce_max3A_24 : f32 to vector<32x16xf32>
    %sub3A_33 = arith.subf %get3A_31, %sub3A_32 : vector<32x16xf32>
    %exp3A_34 = math.exp %sub3A_33 : vector<32x16xf32>
    %mul3A = arith.mulf %get3A_28, %exp3A_34 : vector<32x16xf32>
    %reduce_sum3A = vector.shape_cast %mul3A : vector<32x16xf32> to vector<1x32x16xf32>
    %reduce_sum3A_35 = arith.constant dense<0.000000e+00> : vector<1xf32>
    %reduce_sum3A_36 = vector.multi_reduction <add>, %reduce_sum3A, %reduce_sum3A_35 [1, 2] : vector<1x32x16xf32> to vector<1xf32>
    %reduce_sum3A_37 = vector.shape_cast %reduce_sum3A_36 : vector<1xf32> to vector<1x1x1xf32>
    %reduce_sum3A_38 = vector.extract %reduce_sum3A_37[0, 0, 0] : f32 from vector<1x1x1xf32>
    %div3A = arith.constant 1.000000e+00 : f32
    %div3A_39 = arith.divf %div3A, %reduce_sum3A_38 : f32
    %mul3A_40 = vector.broadcast %div3A_39 : f32 to vector<1x2560xf32>
    %mul3A_41 = arith.mulf %exp3A, %mul3A_40 : vector<1x2560xf32>
    %transpose3A = tpu.transpose %mul3A_41, [1, 0] : vector<1x2560xf32> -> vector<2560x1xf32>
    %broadcast_in_dim3A = arith.constant 0 : i32
    %broadcast_in_dim3A_42 = vector.broadcast %broadcast_in_dim3A : i32 to vector<1x2560xi32>
    %iota3A = tpu.iota {dimensions = array<i32: 0>} : vector<128x1xi32>
    %iota3A_43 = tpu.iota {dimensions = array<i32: 1>} : vector<1x2560xi32>
    %slice3A_44 = vector.extract_strided_slice %transpose3A {offsets = [0, 0], sizes = [128, 1], strides = [1, 1]} : vector<2560x1xf32> to vector<128x1xf32>
    %add3A = arith.constant 0 : i32
    %add3A_45 = vector.broadcast %add3A : i32 to vector<128x1xi32>
    %add3A_46 = arith.addi %iota3A, %add3A_45 : vector<128x1xi32>
    %lt3A = vector.broadcast %add3A_46 : vector<128x1xi32> to vector<128x2560xi32>
    %lt3A_47 = vector.broadcast %iota3A_43 : vector<1x2560xi32> to vector<128x2560xi32>
    %lt3A_48 = arith.cmpi slt, %lt3A, %lt3A_47 : vector<128x2560xi32>
    %gt3A = vector.broadcast %slice3A_44 : vector<128x1xf32> to vector<128x2560xf32>
    %gt3A_49 = vector.broadcast %mul3A_41 : vector<1x2560xf32> to vector<128x2560xf32>
    %gt3A_50 = arith.cmpf ogt, %gt3A, %gt3A_49 : vector<128x2560xf32>
    %eq3A = vector.broadcast %slice3A_44 : vector<128x1xf32> to vector<128x2560xf32>
    %eq3A_51 = vector.broadcast %mul3A_41 : vector<1x2560xf32> to vector<128x2560xf32>
    %eq3A_52 = arith.cmpf oeq, %eq3A, %eq3A_51 : vector<128x2560xf32>
    %and3A = arith.andi %eq3A_52, %lt3A_48 : vector<128x2560xi1>
    %or3A = arith.ori %gt3A_50, %and3A : vector<128x2560xi1>
    %convert_element_type3A = arith.extui %or3A : vector<128x2560xi1> to vector<128x2560xi32>
    %reduce_sum3A_53 = arith.constant dense<0> : vector<2560xi32>
    %reduce_sum3A_54 = vector.multi_reduction <add>, %convert_element_type3A, %reduce_sum3A_53 [0] : vector<128x2560xi32> to vector<2560xi32>
    %broadcast_in_dim3A_55 = vector.shape_cast %reduce_sum3A_54 : vector<2560xi32> to vector<1x2560xi32>
    %add3A_56 = arith.addi %broadcast_in_dim3A_42, %broadcast_in_dim3A_55 : vector<1x2560xi32>
    %slice3A_57 = vector.extract_strided_slice %transpose3A {offsets = [128, 0], sizes = [128, 1], strides = [1, 1]} : vector<2560x1xf32> to vector<128x1xf32>
    %add3A_58 = arith.constant 128 : i32
    %add3A_59 = vector.broadcast %add3A_58 : i32 to vector<128x1xi32>
    %add3A_60 = arith.addi %iota3A, %add3A_59 : vector<128x1xi32>
    %lt3A_61 = vector.broadcast %add3A_60 : vector<128x1xi32> to vector<128x2560xi32>
    %lt3A_62 = vector.broadcast %iota3A_43 : vector<1x2560xi32> to vector<128x2560xi32>
    %lt3A_63 = arith.cmpi slt, %lt3A_61, %lt3A_62 : vector<128x2560xi32>
    %gt3A_64 = vector.broadcast %slice3A_57 : vector<128x1xf32> to vector<128x2560xf32>
    %gt3A_65 = vector.broadcast %mul3A_41 : vector<1x2560xf32> to vector<128x2560xf32>
    %gt3A_66 = arith.cmpf ogt, %gt3A_64, %gt3A_65 : vector<128x2560xf32>
    %eq3A_67 = vector.broadcast %slice3A_57 : vector<128x1xf32> to vector<128x2560xf32>
    %eq3A_68 = vector.broadcast %mul3A_41 : vector<1x2560xf32> to vector<128x2560xf32>
    %eq3A_69 = arith.cmpf oeq, %eq3A_67, %eq3A_68 : vector<128x2560xf32>
    %and3A_70 = arith.andi %eq3A_69, %lt3A_63 : vector<128x2560xi1>
    %or3A_71 = arith.ori %gt3A_66, %and3A_70 : vector<128x2560xi1>
    %convert_element_type3A_72 = arith.extui %or3A_71 : vector<128x2560xi1> to vector<128x2560xi32>
    %reduce_sum3A_73 = arith.constant dense<0> : vector<2560xi32>
    %reduce_sum3A_74 = vector.multi_reduction <add>, %convert_element_type3A_72, %reduce_sum3A_73 [0] : vector<128x2560xi32> to vector<2560xi32>
    %broadcast_in_dim3A_75 = vector.shape_cast %reduce_sum3A_74 : vector<2560xi32> to vector<1x2560xi32>
    %add3A_76 = arith.addi %add3A_56, %broadcast_in_dim3A_75 : vector<1x2560xi32>
    %slice3A_77 = vector.extract_strided_slice %transpose3A {offsets = [256, 0], sizes = [128, 1], strides = [1, 1]} : vector<2560x1xf32> to vector<128x1xf32>
    %add3A_78 = arith.constant 256 : i32
    %add3A_79 = vector.broadcast %add3A_78 : i32 to vector<128x1xi32>
    %add3A_80 = arith.addi %iota3A, %add3A_79 : vector<128x1xi32>
    %lt3A_81 = vector.broadcast %add3A_80 : vector<128x1xi32> to vector<128x2560xi32>
    %lt3A_82 = vector.broadcast %iota3A_43 : vector<1x2560xi32> to vector<128x2560xi32>
    %lt3A_83 = arith.cmpi slt, %lt3A_81, %lt3A_82 : vector<128x2560xi32>
    %gt3A_84 = vector.broadcast %slice3A_77 : vector<128x1xf32> to vector<128x2560xf32>
    %gt3A_85 = vector.broadcast %mul3A_41 : vector<1x2560xf32> to vector<128x2560xf32>
    %gt3A_86 = arith.cmpf ogt, %gt3A_84, %gt3A_85 : vector<128x2560xf32>
    %eq3A_87 = vector.broadcast %slice3A_77 : vector<128x1xf32> to vector<128x2560xf32>
    %eq3A_88 = vector.broadcast %mul3A_41 : vector<1x2560xf32> to vector<128x2560xf32>
    %eq3A_89 = arith.cmpf oeq, %eq3A_87, %eq3A_88 : vector<128x2560xf32>
    %and3A_90 = arith.andi %eq3A_89, %lt3A_83 : vector<128x2560xi1>
    %or3A_91 = arith.ori %gt3A_86, %and3A_90 : vector<128x2560xi1>
    %convert_element_type3A_92 = arith.extui %or3A_91 : vector<128x2560xi1> to vector<128x2560xi32>
    %reduce_sum3A_93 = arith.constant dense<0> : vector<2560xi32>
    %reduce_sum3A_94 = vector.multi_reduction <add>, %convert_element_type3A_92, %reduce_sum3A_93 [0] : vector<128x2560xi32> to vector<2560xi32>
    %broadcast_in_dim3A_95 = vector.shape_cast %reduce_sum3A_94 : vector<2560xi32> to vector<1x2560xi32>
    %add3A_96 = arith.addi %add3A_76, %broadcast_in_dim3A_95 : vector<1x2560xi32>
    %slice3A_97 = vector.extract_strided_slice %transpose3A {offsets = [384, 0], sizes = [128, 1], strides = [1, 1]} : vector<2560x1xf32> to vector<128x1xf32>
    %add3A_98 = arith.constant 384 : i32
    %add3A_99 = vector.broadcast %add3A_98 : i32 to vector<128x1xi32>
    %add3A_100 = arith.addi %iota3A, %add3A_99 : vector<128x1xi32>
    %lt3A_101 = vector.broadcast %add3A_100 : vector<128x1xi32> to vector<128x2560xi32>
    %lt3A_102 = vector.broadcast %iota3A_43 : vector<1x2560xi32> to vector<128x2560xi32>
    %lt3A_103 = arith.cmpi slt, %lt3A_101, %lt3A_102 : vector<128x2560xi32>
    %gt3A_104 = vector.broadcast %slice3A_97 : vector<128x1xf32> to vector<128x2560xf32>
    %gt3A_105 = vector.broadcast %mul3A_41 : vector<1x2560xf32> to vector<128x2560xf32>
    %gt3A_106 = arith.cmpf ogt, %gt3A_104, %gt3A_105 : vector<128x2560xf32>
    %eq3A_107 = vector.broadcast %slice3A_97 : vector<128x1xf32> to vector<128x2560xf32>
    %eq3A_108 = vector.broadcast %mul3A_41 : vector<1x2560xf32> to vector<128x2560xf32>
    %eq3A_109 = arith.cmpf oeq, %eq3A_107, %eq3A_108 : vector<128x2560xf32>
    %and3A_110 = arith.andi %eq3A_109, %lt3A_103 : vector<128x2560xi1>
    %or3A_111 = arith.ori %gt3A_106, %and3A_110 : vector<128x2560xi1>
    %convert_element_type3A_112 = arith.extui %or3A_111 : vector<128x2560xi1> to vector<128x2560xi32>
    %reduce_sum3A_113 = arith.constant dense<0> : vector<2560xi32>
    %reduce_sum3A_114 = vector.multi_reduction <add>, %convert_element_type3A_112, %reduce_sum3A_113 [0] : vector<128x2560xi32> to vector<2560xi32>
    %broadcast_in_dim3A_115 = vector.shape_cast %reduce_sum3A_114 : vector<2560xi32> to vector<1x2560xi32>
    %add3A_116 = arith.addi %add3A_96, %broadcast_in_dim3A_115 : vector<1x2560xi32>
    %slice3A_117 = vector.extract_strided_slice %transpose3A {offsets = [512, 0], sizes = [128, 1], strides = [1, 1]} : vector<2560x1xf32> to vector<128x1xf32>
    %add3A_118 = arith.constant 512 : i32
    %add3A_119 = vector.broadcast %add3A_118 : i32 to vector<128x1xi32>
    %add3A_120 = arith.addi %iota3A, %add3A_119 : vector<128x1xi32>
    %lt3A_121 = vector.broadcast %add3A_120 : vector<128x1xi32> to vector<128x2560xi32>
    %lt3A_122 = vector.broadcast %iota3A_43 : vector<1x2560xi32> to vector<128x2560xi32>
    %lt3A_123 = arith.cmpi slt, %lt3A_121, %lt3A_122 : vector<128x2560xi32>
    %gt3A_124 = vector.broadcast %slice3A_117 : vector<128x1xf32> to vector<128x2560xf32>
    %gt3A_125 = vector.broadcast %mul3A_41 : vector<1x2560xf32> to vector<128x2560xf32>
    %gt3A_126 = arith.cmpf ogt, %gt3A_124, %gt3A_125 : vector<128x2560xf32>
    %eq3A_127 = vector.broadcast %slice3A_117 : vector<128x1xf32> to vector<128x2560xf32>
    %eq3A_128 = vector.broadcast %mul3A_41 : vector<1x2560xf32> to vector<128x2560xf32>
    %eq3A_129 = arith.cmpf oeq, %eq3A_127, %eq3A_128 : vector<128x2560xf32>
    %and3A_130 = arith.andi %eq3A_129, %lt3A_123 : vector<128x2560xi1>
    %or3A_131 = arith.ori %gt3A_126, %and3A_130 : vector<128x2560xi1>
    %convert_element_type3A_132 = arith.extui %or3A_131 : vector<128x2560xi1> to vector<128x2560xi32>
    %reduce_sum3A_133 = arith.constant dense<0> : vector<2560xi32>
    %reduce_sum3A_134 = vector.multi_reduction <add>, %convert_element_type3A_132, %reduce_sum3A_133 [0] : vector<128x2560xi32> to vector<2560xi32>
    %broadcast_in_dim3A_135 = vector.shape_cast %reduce_sum3A_134 : vector<2560xi32> to vector<1x2560xi32>
    %add3A_136 = arith.addi %add3A_116, %broadcast_in_dim3A_135 : vector<1x2560xi32>
    %slice3A_137 = vector.extract_strided_slice %transpose3A {offsets = [640, 0], sizes = [128, 1], strides = [1, 1]} : vector<2560x1xf32> to vector<128x1xf32>
    %add3A_138 = arith.constant 640 : i32
    %add3A_139 = vector.broadcast %add3A_138 : i32 to vector<128x1xi32>
    %add3A_140 = arith.addi %iota3A, %add3A_139 : vector<128x1xi32>
    %lt3A_141 = vector.broadcast %add3A_140 : vector<128x1xi32> to vector<128x2560xi32>
    %lt3A_142 = vector.broadcast %iota3A_43 : vector<1x2560xi32> to vector<128x2560xi32>
    %lt3A_143 = arith.cmpi slt, %lt3A_141, %lt3A_142 : vector<128x2560xi32>
    %gt3A_144 = vector.broadcast %slice3A_137 : vector<128x1xf32> to vector<128x2560xf32>
    %gt3A_145 = vector.broadcast %mul3A_41 : vector<1x2560xf32> to vector<128x2560xf32>
    %gt3A_146 = arith.cmpf ogt, %gt3A_144, %gt3A_145 : vector<128x2560xf32>
    %eq3A_147 = vector.broadcast %slice3A_137 : vector<128x1xf32> to vector<128x2560xf32>
    %eq3A_148 = vector.broadcast %mul3A_41 : vector<1x2560xf32> to vector<128x2560xf32>
    %eq3A_149 = arith.cmpf oeq, %eq3A_147, %eq3A_148 : vector<128x2560xf32>
    %and3A_150 = arith.andi %eq3A_149, %lt3A_143 : vector<128x2560xi1>
    %or3A_151 = arith.ori %gt3A_146, %and3A_150 : vector<128x2560xi1>
    %convert_element_type3A_152 = arith.extui %or3A_151 : vector<128x2560xi1> to vector<128x2560xi32>
    %reduce_sum3A_153 = arith.constant dense<0> : vector<2560xi32>
    %reduce_sum3A_154 = vector.multi_reduction <add>, %convert_element_type3A_152, %reduce_sum3A_153 [0] : vector<128x2560xi32> to vector<2560xi32>
    %broadcast_in_dim3A_155 = vector.shape_cast %reduce_sum3A_154 : vector<2560xi32> to vector<1x2560xi32>
    %add3A_156 = arith.addi %add3A_136, %broadcast_in_dim3A_155 : vector<1x2560xi32>
    %slice3A_157 = vector.extract_strided_slice %transpose3A {offsets = [768, 0], sizes = [128, 1], strides = [1, 1]} : vector<2560x1xf32> to vector<128x1xf32>
    %add3A_158 = arith.constant 768 : i32
    %add3A_159 = vector.broadcast %add3A_158 : i32 to vector<128x1xi32>
    %add3A_160 = arith.addi %iota3A, %add3A_159 : vector<128x1xi32>
    %lt3A_161 = vector.broadcast %add3A_160 : vector<128x1xi32> to vector<128x2560xi32>
    %lt3A_162 = vector.broadcast %iota3A_43 : vector<1x2560xi32> to vector<128x2560xi32>
    %lt3A_163 = arith.cmpi slt, %lt3A_161, %lt3A_162 : vector<128x2560xi32>
    %gt3A_164 = vector.broadcast %slice3A_157 : vector<128x1xf32> to vector<128x2560xf32>
    %gt3A_165 = vector.broadcast %mul3A_41 : vector<1x2560xf32> to vector<128x2560xf32>
    %gt3A_166 = arith.cmpf ogt, %gt3A_164, %gt3A_165 : vector<128x2560xf32>
    %eq3A_167 = vector.broadcast %slice3A_157 : vector<128x1xf32> to vector<128x2560xf32>
    %eq3A_168 = vector.broadcast %mul3A_41 : vector<1x2560xf32> to vector<128x2560xf32>
    %eq3A_169 = arith.cmpf oeq, %eq3A_167, %eq3A_168 : vector<128x2560xf32>
    %and3A_170 = arith.andi %eq3A_169, %lt3A_163 : vector<128x2560xi1>
    %or3A_171 = arith.ori %gt3A_166, %and3A_170 : vector<128x2560xi1>
    %convert_element_type3A_172 = arith.extui %or3A_171 : vector<128x2560xi1> to vector<128x2560xi32>
    %reduce_sum3A_173 = arith.constant dense<0> : vector<2560xi32>
    %reduce_sum3A_174 = vector.multi_reduction <add>, %convert_element_type3A_172, %reduce_sum3A_173 [0] : vector<128x2560xi32> to vector<2560xi32>
    %broadcast_in_dim3A_175 = vector.shape_cast %reduce_sum3A_174 : vector<2560xi32> to vector<1x2560xi32>
    %add3A_176 = arith.addi %add3A_156, %broadcast_in_dim3A_175 : vector<1x2560xi32>
    %slice3A_177 = vector.extract_strided_slice %transpose3A {offsets = [896, 0], sizes = [128, 1], strides = [1, 1]} : vector<2560x1xf32> to vector<128x1xf32>
    %add3A_178 = arith.constant 896 : i32
    %add3A_179 = vector.broadcast %add3A_178 : i32 to vector<128x1xi32>
    %add3A_180 = arith.addi %iota3A, %add3A_179 : vector<128x1xi32>
    %lt3A_181 = vector.broadcast %add3A_180 : vector<128x1xi32> to vector<128x2560xi32>
    %lt3A_182 = vector.broadcast %iota3A_43 : vector<1x2560xi32> to vector<128x2560xi32>
    %lt3A_183 = arith.cmpi slt, %lt3A_181, %lt3A_182 : vector<128x2560xi32>
    %gt3A_184 = vector.broadcast %slice3A_177 : vector<128x1xf32> to vector<128x2560xf32>
    %gt3A_185 = vector.broadcast %mul3A_41 : vector<1x2560xf32> to vector<128x2560xf32>
    %gt3A_186 = arith.cmpf ogt, %gt3A_184, %gt3A_185 : vector<128x2560xf32>
    %eq3A_187 = vector.broadcast %slice3A_177 : vector<128x1xf32> to vector<128x2560xf32>
    %eq3A_188 = vector.broadcast %mul3A_41 : vector<1x2560xf32> to vector<128x2560xf32>
    %eq3A_189 = arith.cmpf oeq, %eq3A_187, %eq3A_188 : vector<128x2560xf32>
    %and3A_190 = arith.andi %eq3A_189, %lt3A_183 : vector<128x2560xi1>
    %or3A_191 = arith.ori %gt3A_186, %and3A_190 : vector<128x2560xi1>
    %convert_element_type3A_192 = arith.extui %or3A_191 : vector<128x2560xi1> to vector<128x2560xi32>
    %reduce_sum3A_193 = arith.constant dense<0> : vector<2560xi32>
    %reduce_sum3A_194 = vector.multi_reduction <add>, %convert_element_type3A_192, %reduce_sum3A_193 [0] : vector<128x2560xi32> to vector<2560xi32>
    %broadcast_in_dim3A_195 = vector.shape_cast %reduce_sum3A_194 : vector<2560xi32> to vector<1x2560xi32>
    %add3A_196 = arith.addi %add3A_176, %broadcast_in_dim3A_195 : vector<1x2560xi32>
    %slice3A_197 = vector.extract_strided_slice %transpose3A {offsets = [1024, 0], sizes = [128, 1], strides = [1, 1]} : vector<2560x1xf32> to vector<128x1xf32>
    %add3A_198 = arith.constant 1024 : i32
    %add3A_199 = vector.broadcast %add3A_198 : i32 to vector<128x1xi32>
    %add3A_200 = arith.addi %iota3A, %add3A_199 : vector<128x1xi32>
    %lt3A_201 = vector.broadcast %add3A_200 : vector<128x1xi32> to vector<128x2560xi32>
    %lt3A_202 = vector.broadcast %iota3A_43 : vector<1x2560xi32> to vector<128x2560xi32>
    %lt3A_203 = arith.cmpi slt, %lt3A_201, %lt3A_202 : vector<128x2560xi32>
    %gt3A_204 = vector.broadcast %slice3A_197 : vector<128x1xf32> to vector<128x2560xf32>
    %gt3A_205 = vector.broadcast %mul3A_41 : vector<1x2560xf32> to vector<128x2560xf32>
    %gt3A_206 = arith.cmpf ogt, %gt3A_204, %gt3A_205 : vector<128x2560xf32>
    %eq3A_207 = vector.broadcast %slice3A_197 : vector<128x1xf32> to vector<128x2560xf32>
    %eq3A_208 = vector.broadcast %mul3A_41 : vector<1x2560xf32> to vector<128x2560xf32>
    %eq3A_209 = arith.cmpf oeq, %eq3A_207, %eq3A_208 : vector<128x2560xf32>
    %and3A_210 = arith.andi %eq3A_209, %lt3A_203 : vector<128x2560xi1>
    %or3A_211 = arith.ori %gt3A_206, %and3A_210 : vector<128x2560xi1>
    %convert_element_type3A_212 = arith.extui %or3A_211 : vector<128x2560xi1> to vector<128x2560xi32>
    %reduce_sum3A_213 = arith.constant dense<0> : vector<2560xi32>
    %reduce_sum3A_214 = vector.multi_reduction <add>, %convert_element_type3A_212, %reduce_sum3A_213 [0] : vector<128x2560xi32> to vector<2560xi32>
    %broadcast_in_dim3A_215 = vector.shape_cast %reduce_sum3A_214 : vector<2560xi32> to vector<1x2560xi32>
    %add3A_216 = arith.addi %add3A_196, %broadcast_in_dim3A_215 : vector<1x2560xi32>
    %slice3A_217 = vector.extract_strided_slice %transpose3A {offsets = [1152, 0], sizes = [128, 1], strides = [1, 1]} : vector<2560x1xf32> to vector<128x1xf32>
    %add3A_218 = arith.constant 1152 : i32
    %add3A_219 = vector.broadcast %add3A_218 : i32 to vector<128x1xi32>
    %add3A_220 = arith.addi %iota3A, %add3A_219 : vector<128x1xi32>
    %lt3A_221 = vector.broadcast %add3A_220 : vector<128x1xi32> to vector<128x2560xi32>
    %lt3A_222 = vector.broadcast %iota3A_43 : vector<1x2560xi32> to vector<128x2560xi32>
    %lt3A_223 = arith.cmpi slt, %lt3A_221, %lt3A_222 : vector<128x2560xi32>
    %gt3A_224 = vector.broadcast %slice3A_217 : vector<128x1xf32> to vector<128x2560xf32>
    %gt3A_225 = vector.broadcast %mul3A_41 : vector<1x2560xf32> to vector<128x2560xf32>
    %gt3A_226 = arith.cmpf ogt, %gt3A_224, %gt3A_225 : vector<128x2560xf32>
    %eq3A_227 = vector.broadcast %slice3A_217 : vector<128x1xf32> to vector<128x2560xf32>
    %eq3A_228 = vector.broadcast %mul3A_41 : vector<1x2560xf32> to vector<128x2560xf32>
    %eq3A_229 = arith.cmpf oeq, %eq3A_227, %eq3A_228 : vector<128x2560xf32>
    %and3A_230 = arith.andi %eq3A_229, %lt3A_223 : vector<128x2560xi1>
    %or3A_231 = arith.ori %gt3A_226, %and3A_230 : vector<128x2560xi1>
    %convert_element_type3A_232 = arith.extui %or3A_231 : vector<128x2560xi1> to vector<128x2560xi32>
    %reduce_sum3A_233 = arith.constant dense<0> : vector<2560xi32>
    %reduce_sum3A_234 = vector.multi_reduction <add>, %convert_element_type3A_232, %reduce_sum3A_233 [0] : vector<128x2560xi32> to vector<2560xi32>
    %broadcast_in_dim3A_235 = vector.shape_cast %reduce_sum3A_234 : vector<2560xi32> to vector<1x2560xi32>
    %add3A_236 = arith.addi %add3A_216, %broadcast_in_dim3A_235 : vector<1x2560xi32>
    %slice3A_237 = vector.extract_strided_slice %transpose3A {offsets = [1280, 0], sizes = [128, 1], strides = [1, 1]} : vector<2560x1xf32> to vector<128x1xf32>
    %add3A_238 = arith.constant 1280 : i32
    %add3A_239 = vector.broadcast %add3A_238 : i32 to vector<128x1xi32>
    %add3A_240 = arith.addi %iota3A, %add3A_239 : vector<128x1xi32>
    %lt3A_241 = vector.broadcast %add3A_240 : vector<128x1xi32> to vector<128x2560xi32>
    %lt3A_242 = vector.broadcast %iota3A_43 : vector<1x2560xi32> to vector<128x2560xi32>
    %lt3A_243 = arith.cmpi slt, %lt3A_241, %lt3A_242 : vector<128x2560xi32>
    %gt3A_244 = vector.broadcast %slice3A_237 : vector<128x1xf32> to vector<128x2560xf32>
    %gt3A_245 = vector.broadcast %mul3A_41 : vector<1x2560xf32> to vector<128x2560xf32>
    %gt3A_246 = arith.cmpf ogt, %gt3A_244, %gt3A_245 : vector<128x2560xf32>
    %eq3A_247 = vector.broadcast %slice3A_237 : vector<128x1xf32> to vector<128x2560xf32>
    %eq3A_248 = vector.broadcast %mul3A_41 : vector<1x2560xf32> to vector<128x2560xf32>
    %eq3A_249 = arith.cmpf oeq, %eq3A_247, %eq3A_248 : vector<128x2560xf32>
    %and3A_250 = arith.andi %eq3A_249, %lt3A_243 : vector<128x2560xi1>
    %or3A_251 = arith.ori %gt3A_246, %and3A_250 : vector<128x2560xi1>
    %convert_element_type3A_252 = arith.extui %or3A_251 : vector<128x2560xi1> to vector<128x2560xi32>
    %reduce_sum3A_253 = arith.constant dense<0> : vector<2560xi32>
    %reduce_sum3A_254 = vector.multi_reduction <add>, %convert_element_type3A_252, %reduce_sum3A_253 [0] : vector<128x2560xi32> to vector<2560xi32>
    %broadcast_in_dim3A_255 = vector.shape_cast %reduce_sum3A_254 : vector<2560xi32> to vector<1x2560xi32>
    %add3A_256 = arith.addi %add3A_236, %broadcast_in_dim3A_255 : vector<1x2560xi32>
    %slice3A_257 = vector.extract_strided_slice %transpose3A {offsets = [1408, 0], sizes = [128, 1], strides = [1, 1]} : vector<2560x1xf32> to vector<128x1xf32>
    %add3A_258 = arith.constant 1408 : i32
    %add3A_259 = vector.broadcast %add3A_258 : i32 to vector<128x1xi32>
    %add3A_260 = arith.addi %iota3A, %add3A_259 : vector<128x1xi32>
    %lt3A_261 = vector.broadcast %add3A_260 : vector<128x1xi32> to vector<128x2560xi32>
    %lt3A_262 = vector.broadcast %iota3A_43 : vector<1x2560xi32> to vector<128x2560xi32>
    %lt3A_263 = arith.cmpi slt, %lt3A_261, %lt3A_262 : vector<128x2560xi32>
    %gt3A_264 = vector.broadcast %slice3A_257 : vector<128x1xf32> to vector<128x2560xf32>
    %gt3A_265 = vector.broadcast %mul3A_41 : vector<1x2560xf32> to vector<128x2560xf32>
    %gt3A_266 = arith.cmpf ogt, %gt3A_264, %gt3A_265 : vector<128x2560xf32>
    %eq3A_267 = vector.broadcast %slice3A_257 : vector<128x1xf32> to vector<128x2560xf32>
    %eq3A_268 = vector.broadcast %mul3A_41 : vector<1x2560xf32> to vector<128x2560xf32>
    %eq3A_269 = arith.cmpf oeq, %eq3A_267, %eq3A_268 : vector<128x2560xf32>
    %and3A_270 = arith.andi %eq3A_269, %lt3A_263 : vector<128x2560xi1>
    %or3A_271 = arith.ori %gt3A_266, %and3A_270 : vector<128x2560xi1>
    %convert_element_type3A_272 = arith.extui %or3A_271 : vector<128x2560xi1> to vector<128x2560xi32>
    %reduce_sum3A_273 = arith.constant dense<0> : vector<2560xi32>
    %reduce_sum3A_274 = vector.multi_reduction <add>, %convert_element_type3A_272, %reduce_sum3A_273 [0] : vector<128x2560xi32> to vector<2560xi32>
    %broadcast_in_dim3A_275 = vector.shape_cast %reduce_sum3A_274 : vector<2560xi32> to vector<1x2560xi32>
    %add3A_276 = arith.addi %add3A_256, %broadcast_in_dim3A_275 : vector<1x2560xi32>
    %slice3A_277 = vector.extract_strided_slice %transpose3A {offsets = [1536, 0], sizes = [128, 1], strides = [1, 1]} : vector<2560x1xf32> to vector<128x1xf32>
    %add3A_278 = arith.constant 1536 : i32
    %add3A_279 = vector.broadcast %add3A_278 : i32 to vector<128x1xi32>
    %add3A_280 = arith.addi %iota3A, %add3A_279 : vector<128x1xi32>
    %lt3A_281 = vector.broadcast %add3A_280 : vector<128x1xi32> to vector<128x2560xi32>
    %lt3A_282 = vector.broadcast %iota3A_43 : vector<1x2560xi32> to vector<128x2560xi32>
    %lt3A_283 = arith.cmpi slt, %lt3A_281, %lt3A_282 : vector<128x2560xi32>
    %gt3A_284 = vector.broadcast %slice3A_277 : vector<128x1xf32> to vector<128x2560xf32>
    %gt3A_285 = vector.broadcast %mul3A_41 : vector<1x2560xf32> to vector<128x2560xf32>
    %gt3A_286 = arith.cmpf ogt, %gt3A_284, %gt3A_285 : vector<128x2560xf32>
    %eq3A_287 = vector.broadcast %slice3A_277 : vector<128x1xf32> to vector<128x2560xf32>
    %eq3A_288 = vector.broadcast %mul3A_41 : vector<1x2560xf32> to vector<128x2560xf32>
    %eq3A_289 = arith.cmpf oeq, %eq3A_287, %eq3A_288 : vector<128x2560xf32>
    %and3A_290 = arith.andi %eq3A_289, %lt3A_283 : vector<128x2560xi1>
    %or3A_291 = arith.ori %gt3A_286, %and3A_290 : vector<128x2560xi1>
    %convert_element_type3A_292 = arith.extui %or3A_291 : vector<128x2560xi1> to vector<128x2560xi32>
    %reduce_sum3A_293 = arith.constant dense<0> : vector<2560xi32>
    %reduce_sum3A_294 = vector.multi_reduction <add>, %convert_element_type3A_292, %reduce_sum3A_293 [0] : vector<128x2560xi32> to vector<2560xi32>
    %broadcast_in_dim3A_295 = vector.shape_cast %reduce_sum3A_294 : vector<2560xi32> to vector<1x2560xi32>
    %add3A_296 = arith.addi %add3A_276, %broadcast_in_dim3A_295 : vector<1x2560xi32>
    %slice3A_297 = vector.extract_strided_slice %transpose3A {offsets = [1664, 0], sizes = [128, 1], strides = [1, 1]} : vector<2560x1xf32> to vector<128x1xf32>
    %add3A_298 = arith.constant 1664 : i32
    %add3A_299 = vector.broadcast %add3A_298 : i32 to vector<128x1xi32>
    %add3A_300 = arith.addi %iota3A, %add3A_299 : vector<128x1xi32>
    %lt3A_301 = vector.broadcast %add3A_300 : vector<128x1xi32> to vector<128x2560xi32>
    %lt3A_302 = vector.broadcast %iota3A_43 : vector<1x2560xi32> to vector<128x2560xi32>
    %lt3A_303 = arith.cmpi slt, %lt3A_301, %lt3A_302 : vector<128x2560xi32>
    %gt3A_304 = vector.broadcast %slice3A_297 : vector<128x1xf32> to vector<128x2560xf32>
    %gt3A_305 = vector.broadcast %mul3A_41 : vector<1x2560xf32> to vector<128x2560xf32>
    %gt3A_306 = arith.cmpf ogt, %gt3A_304, %gt3A_305 : vector<128x2560xf32>
    %eq3A_307 = vector.broadcast %slice3A_297 : vector<128x1xf32> to vector<128x2560xf32>
    %eq3A_308 = vector.broadcast %mul3A_41 : vector<1x2560xf32> to vector<128x2560xf32>
    %eq3A_309 = arith.cmpf oeq, %eq3A_307, %eq3A_308 : vector<128x2560xf32>
    %and3A_310 = arith.andi %eq3A_309, %lt3A_303 : vector<128x2560xi1>
    %or3A_311 = arith.ori %gt3A_306, %and3A_310 : vector<128x2560xi1>
    %convert_element_type3A_312 = arith.extui %or3A_311 : vector<128x2560xi1> to vector<128x2560xi32>
    %reduce_sum3A_313 = arith.constant dense<0> : vector<2560xi32>
    %reduce_sum3A_314 = vector.multi_reduction <add>, %convert_element_type3A_312, %reduce_sum3A_313 [0] : vector<128x2560xi32> to vector<2560xi32>
    %broadcast_in_dim3A_315 = vector.shape_cast %reduce_sum3A_314 : vector<2560xi32> to vector<1x2560xi32>
    %add3A_316 = arith.addi %add3A_296, %broadcast_in_dim3A_315 : vector<1x2560xi32>
    %slice3A_317 = vector.extract_strided_slice %transpose3A {offsets = [1792, 0], sizes = [128, 1], strides = [1, 1]} : vector<2560x1xf32> to vector<128x1xf32>
    %add3A_318 = arith.constant 1792 : i32
    %add3A_319 = vector.broadcast %add3A_318 : i32 to vector<128x1xi32>
    %add3A_320 = arith.addi %iota3A, %add3A_319 : vector<128x1xi32>
    %lt3A_321 = vector.broadcast %add3A_320 : vector<128x1xi32> to vector<128x2560xi32>
    %lt3A_322 = vector.broadcast %iota3A_43 : vector<1x2560xi32> to vector<128x2560xi32>
    %lt3A_323 = arith.cmpi slt, %lt3A_321, %lt3A_322 : vector<128x2560xi32>
    %gt3A_324 = vector.broadcast %slice3A_317 : vector<128x1xf32> to vector<128x2560xf32>
    %gt3A_325 = vector.broadcast %mul3A_41 : vector<1x2560xf32> to vector<128x2560xf32>
    %gt3A_326 = arith.cmpf ogt, %gt3A_324, %gt3A_325 : vector<128x2560xf32>
    %eq3A_327 = vector.broadcast %slice3A_317 : vector<128x1xf32> to vector<128x2560xf32>
    %eq3A_328 = vector.broadcast %mul3A_41 : vector<1x2560xf32> to vector<128x2560xf32>
    %eq3A_329 = arith.cmpf oeq, %eq3A_327, %eq3A_328 : vector<128x2560xf32>
    %and3A_330 = arith.andi %eq3A_329, %lt3A_323 : vector<128x2560xi1>
    %or3A_331 = arith.ori %gt3A_326, %and3A_330 : vector<128x2560xi1>
    %convert_element_type3A_332 = arith.extui %or3A_331 : vector<128x2560xi1> to vector<128x2560xi32>
    %reduce_sum3A_333 = arith.constant dense<0> : vector<2560xi32>
    %reduce_sum3A_334 = vector.multi_reduction <add>, %convert_element_type3A_332, %reduce_sum3A_333 [0] : vector<128x2560xi32> to vector<2560xi32>
    %broadcast_in_dim3A_335 = vector.shape_cast %reduce_sum3A_334 : vector<2560xi32> to vector<1x2560xi32>
    %add3A_336 = arith.addi %add3A_316, %broadcast_in_dim3A_335 : vector<1x2560xi32>
    %slice3A_337 = vector.extract_strided_slice %transpose3A {offsets = [1920, 0], sizes = [128, 1], strides = [1, 1]} : vector<2560x1xf32> to vector<128x1xf32>
    %add3A_338 = arith.constant 1920 : i32
    %add3A_339 = vector.broadcast %add3A_338 : i32 to vector<128x1xi32>
    %add3A_340 = arith.addi %iota3A, %add3A_339 : vector<128x1xi32>
    %lt3A_341 = vector.broadcast %add3A_340 : vector<128x1xi32> to vector<128x2560xi32>
    %lt3A_342 = vector.broadcast %iota3A_43 : vector<1x2560xi32> to vector<128x2560xi32>
    %lt3A_343 = arith.cmpi slt, %lt3A_341, %lt3A_342 : vector<128x2560xi32>
    %gt3A_344 = vector.broadcast %slice3A_337 : vector<128x1xf32> to vector<128x2560xf32>
    %gt3A_345 = vector.broadcast %mul3A_41 : vector<1x2560xf32> to vector<128x2560xf32>
    %gt3A_346 = arith.cmpf ogt, %gt3A_344, %gt3A_345 : vector<128x2560xf32>
    %eq3A_347 = vector.broadcast %slice3A_337 : vector<128x1xf32> to vector<128x2560xf32>
    %eq3A_348 = vector.broadcast %mul3A_41 : vector<1x2560xf32> to vector<128x2560xf32>
    %eq3A_349 = arith.cmpf oeq, %eq3A_347, %eq3A_348 : vector<128x2560xf32>
    %and3A_350 = arith.andi %eq3A_349, %lt3A_343 : vector<128x2560xi1>
    %or3A_351 = arith.ori %gt3A_346, %and3A_350 : vector<128x2560xi1>
    %convert_element_type3A_352 = arith.extui %or3A_351 : vector<128x2560xi1> to vector<128x2560xi32>
    %reduce_sum3A_353 = arith.constant dense<0> : vector<2560xi32>
    %reduce_sum3A_354 = vector.multi_reduction <add>, %convert_element_type3A_352, %reduce_sum3A_353 [0] : vector<128x2560xi32> to vector<2560xi32>
    %broadcast_in_dim3A_355 = vector.shape_cast %reduce_sum3A_354 : vector<2560xi32> to vector<1x2560xi32>
    %add3A_356 = arith.addi %add3A_336, %broadcast_in_dim3A_355 : vector<1x2560xi32>
    %slice3A_357 = vector.extract_strided_slice %transpose3A {offsets = [2048, 0], sizes = [128, 1], strides = [1, 1]} : vector<2560x1xf32> to vector<128x1xf32>
    %add3A_358 = arith.constant 2048 : i32
    %add3A_359 = vector.broadcast %add3A_358 : i32 to vector<128x1xi32>
    %add3A_360 = arith.addi %iota3A, %add3A_359 : vector<128x1xi32>
    %lt3A_361 = vector.broadcast %add3A_360 : vector<128x1xi32> to vector<128x2560xi32>
    %lt3A_362 = vector.broadcast %iota3A_43 : vector<1x2560xi32> to vector<128x2560xi32>
    %lt3A_363 = arith.cmpi slt, %lt3A_361, %lt3A_362 : vector<128x2560xi32>
    %gt3A_364 = vector.broadcast %slice3A_357 : vector<128x1xf32> to vector<128x2560xf32>
    %gt3A_365 = vector.broadcast %mul3A_41 : vector<1x2560xf32> to vector<128x2560xf32>
    %gt3A_366 = arith.cmpf ogt, %gt3A_364, %gt3A_365 : vector<128x2560xf32>
    %eq3A_367 = vector.broadcast %slice3A_357 : vector<128x1xf32> to vector<128x2560xf32>
    %eq3A_368 = vector.broadcast %mul3A_41 : vector<1x2560xf32> to vector<128x2560xf32>
    %eq3A_369 = arith.cmpf oeq, %eq3A_367, %eq3A_368 : vector<128x2560xf32>
    %and3A_370 = arith.andi %eq3A_369, %lt3A_363 : vector<128x2560xi1>
    %or3A_371 = arith.ori %gt3A_366, %and3A_370 : vector<128x2560xi1>
    %convert_element_type3A_372 = arith.extui %or3A_371 : vector<128x2560xi1> to vector<128x2560xi32>
    %reduce_sum3A_373 = arith.constant dense<0> : vector<2560xi32>
    %reduce_sum3A_374 = vector.multi_reduction <add>, %convert_element_type3A_372, %reduce_sum3A_373 [0] : vector<128x2560xi32> to vector<2560xi32>
    %broadcast_in_dim3A_375 = vector.shape_cast %reduce_sum3A_374 : vector<2560xi32> to vector<1x2560xi32>
    %add3A_376 = arith.addi %add3A_356, %broadcast_in_dim3A_375 : vector<1x2560xi32>
    %slice3A_377 = vector.extract_strided_slice %transpose3A {offsets = [2176, 0], sizes = [128, 1], strides = [1, 1]} : vector<2560x1xf32> to vector<128x1xf32>
    %add3A_378 = arith.constant 2176 : i32
    %add3A_379 = vector.broadcast %add3A_378 : i32 to vector<128x1xi32>
    %add3A_380 = arith.addi %iota3A, %add3A_379 : vector<128x1xi32>
    %lt3A_381 = vector.broadcast %add3A_380 : vector<128x1xi32> to vector<128x2560xi32>
    %lt3A_382 = vector.broadcast %iota3A_43 : vector<1x2560xi32> to vector<128x2560xi32>
    %lt3A_383 = arith.cmpi slt, %lt3A_381, %lt3A_382 : vector<128x2560xi32>
    %gt3A_384 = vector.broadcast %slice3A_377 : vector<128x1xf32> to vector<128x2560xf32>
    %gt3A_385 = vector.broadcast %mul3A_41 : vector<1x2560xf32> to vector<128x2560xf32>
    %gt3A_386 = arith.cmpf ogt, %gt3A_384, %gt3A_385 : vector<128x2560xf32>
    %eq3A_387 = vector.broadcast %slice3A_377 : vector<128x1xf32> to vector<128x2560xf32>
    %eq3A_388 = vector.broadcast %mul3A_41 : vector<1x2560xf32> to vector<128x2560xf32>
    %eq3A_389 = arith.cmpf oeq, %eq3A_387, %eq3A_388 : vector<128x2560xf32>
    %and3A_390 = arith.andi %eq3A_389, %lt3A_383 : vector<128x2560xi1>
    %or3A_391 = arith.ori %gt3A_386, %and3A_390 : vector<128x2560xi1>
    %convert_element_type3A_392 = arith.extui %or3A_391 : vector<128x2560xi1> to vector<128x2560xi32>
    %reduce_sum3A_393 = arith.constant dense<0> : vector<2560xi32>
    %reduce_sum3A_394 = vector.multi_reduction <add>, %convert_element_type3A_392, %reduce_sum3A_393 [0] : vector<128x2560xi32> to vector<2560xi32>
    %broadcast_in_dim3A_395 = vector.shape_cast %reduce_sum3A_394 : vector<2560xi32> to vector<1x2560xi32>
    %add3A_396 = arith.addi %add3A_376, %broadcast_in_dim3A_395 : vector<1x2560xi32>
    %slice3A_397 = vector.extract_strided_slice %transpose3A {offsets = [2304, 0], sizes = [128, 1], strides = [1, 1]} : vector<2560x1xf32> to vector<128x1xf32>
    %add3A_398 = arith.constant 2304 : i32
    %add3A_399 = vector.broadcast %add3A_398 : i32 to vector<128x1xi32>
    %add3A_400 = arith.addi %iota3A, %add3A_399 : vector<128x1xi32>
    %lt3A_401 = vector.broadcast %add3A_400 : vector<128x1xi32> to vector<128x2560xi32>
    %lt3A_402 = vector.broadcast %iota3A_43 : vector<1x2560xi32> to vector<128x2560xi32>
    %lt3A_403 = arith.cmpi slt, %lt3A_401, %lt3A_402 : vector<128x2560xi32>
    %gt3A_404 = vector.broadcast %slice3A_397 : vector<128x1xf32> to vector<128x2560xf32>
    %gt3A_405 = vector.broadcast %mul3A_41 : vector<1x2560xf32> to vector<128x2560xf32>
    %gt3A_406 = arith.cmpf ogt, %gt3A_404, %gt3A_405 : vector<128x2560xf32>
    %eq3A_407 = vector.broadcast %slice3A_397 : vector<128x1xf32> to vector<128x2560xf32>
    %eq3A_408 = vector.broadcast %mul3A_41 : vector<1x2560xf32> to vector<128x2560xf32>
    %eq3A_409 = arith.cmpf oeq, %eq3A_407, %eq3A_408 : vector<128x2560xf32>
    %and3A_410 = arith.andi %eq3A_409, %lt3A_403 : vector<128x2560xi1>
    %or3A_411 = arith.ori %gt3A_406, %and3A_410 : vector<128x2560xi1>
    %convert_element_type3A_412 = arith.extui %or3A_411 : vector<128x2560xi1> to vector<128x2560xi32>
    %reduce_sum3A_413 = arith.constant dense<0> : vector<2560xi32>
    %reduce_sum3A_414 = vector.multi_reduction <add>, %convert_element_type3A_412, %reduce_sum3A_413 [0] : vector<128x2560xi32> to vector<2560xi32>
    %broadcast_in_dim3A_415 = vector.shape_cast %reduce_sum3A_414 : vector<2560xi32> to vector<1x2560xi32>
    %add3A_416 = arith.addi %add3A_396, %broadcast_in_dim3A_415 : vector<1x2560xi32>
    %slice3A_417 = vector.extract_strided_slice %transpose3A {offsets = [2432, 0], sizes = [128, 1], strides = [1, 1]} : vector<2560x1xf32> to vector<128x1xf32>
    %add3A_418 = arith.constant 2432 : i32
    %add3A_419 = vector.broadcast %add3A_418 : i32 to vector<128x1xi32>
    %add3A_420 = arith.addi %iota3A, %add3A_419 : vector<128x1xi32>
    %lt3A_421 = vector.broadcast %add3A_420 : vector<128x1xi32> to vector<128x2560xi32>
    %lt3A_422 = vector.broadcast %iota3A_43 : vector<1x2560xi32> to vector<128x2560xi32>
    %lt3A_423 = arith.cmpi slt, %lt3A_421, %lt3A_422 : vector<128x2560xi32>
    %gt3A_424 = vector.broadcast %slice3A_417 : vector<128x1xf32> to vector<128x2560xf32>
    %gt3A_425 = vector.broadcast %mul3A_41 : vector<1x2560xf32> to vector<128x2560xf32>
    %gt3A_426 = arith.cmpf ogt, %gt3A_424, %gt3A_425 : vector<128x2560xf32>
    %eq3A_427 = vector.broadcast %slice3A_417 : vector<128x1xf32> to vector<128x2560xf32>
    %eq3A_428 = vector.broadcast %mul3A_41 : vector<1x2560xf32> to vector<128x2560xf32>
    %eq3A_429 = arith.cmpf oeq, %eq3A_427, %eq3A_428 : vector<128x2560xf32>
    %and3A_430 = arith.andi %eq3A_429, %lt3A_423 : vector<128x2560xi1>
    %or3A_431 = arith.ori %gt3A_426, %and3A_430 : vector<128x2560xi1>
    %convert_element_type3A_432 = arith.extui %or3A_431 : vector<128x2560xi1> to vector<128x2560xi32>
    %reduce_sum3A_433 = arith.constant dense<0> : vector<2560xi32>
    %reduce_sum3A_434 = vector.multi_reduction <add>, %convert_element_type3A_432, %reduce_sum3A_433 [0] : vector<128x2560xi32> to vector<2560xi32>
    %broadcast_in_dim3A_435 = vector.shape_cast %reduce_sum3A_434 : vector<2560xi32> to vector<1x2560xi32>
    %add3A_436 = arith.addi %add3A_416, %broadcast_in_dim3A_435 : vector<1x2560xi32>
    %get3A_437 = arith.constant 0 : index
    %get3A_438 = arith.constant 0 : index
    %get3A_439 = vector.load %arg1[%get3A_437, %get3A_438] : memref<20x128xi32, #tpu.memory_space<vmem>>, vector<20x128xi32>
    %slice3A_440 = vector.extract_strided_slice %get3A_439 {offsets = [0, 0], sizes = [1, 128], strides = [1, 1]} : vector<20x128xi32> to vector<1x128xi32>
    %slice3A_441 = vector.extract_strided_slice %get3A_439 {offsets = [1, 0], sizes = [1, 128], strides = [1, 1]} : vector<20x128xi32> to vector<1x128xi32>
    %slice3A_442 = vector.extract_strided_slice %get3A_439 {offsets = [2, 0], sizes = [1, 128], strides = [1, 1]} : vector<20x128xi32> to vector<1x128xi32>
    %slice3A_443 = vector.extract_strided_slice %get3A_439 {offsets = [3, 0], sizes = [1, 128], strides = [1, 1]} : vector<20x128xi32> to vector<1x128xi32>
    %slice3A_444 = vector.extract_strided_slice %get3A_439 {offsets = [4, 0], sizes = [1, 128], strides = [1, 1]} : vector<20x128xi32> to vector<1x128xi32>
    %slice3A_445 = vector.extract_strided_slice %get3A_439 {offsets = [5, 0], sizes = [1, 128], strides = [1, 1]} : vector<20x128xi32> to vector<1x128xi32>
    %slice3A_446 = vector.extract_strided_slice %get3A_439 {offsets = [6, 0], sizes = [1, 128], strides = [1, 1]} : vector<20x128xi32> to vector<1x128xi32>
    %slice3A_447 = vector.extract_strided_slice %get3A_439 {offsets = [7, 0], sizes = [1, 128], strides = [1, 1]} : vector<20x128xi32> to vector<1x128xi32>
    %slice3A_448 = vector.extract_strided_slice %get3A_439 {offsets = [8, 0], sizes = [1, 128], strides = [1, 1]} : vector<20x128xi32> to vector<1x128xi32>
    %slice3A_449 = vector.extract_strided_slice %get3A_439 {offsets = [9, 0], sizes = [1, 128], strides = [1, 1]} : vector<20x128xi32> to vector<1x128xi32>
    %slice3A_450 = vector.extract_strided_slice %get3A_439 {offsets = [10, 0], sizes = [1, 128], strides = [1, 1]} : vector<20x128xi32> to vector<1x128xi32>
    %slice3A_451 = vector.extract_strided_slice %get3A_439 {offsets = [11, 0], sizes = [1, 128], strides = [1, 1]} : vector<20x128xi32> to vector<1x128xi32>
    %slice3A_452 = vector.extract_strided_slice %get3A_439 {offsets = [12, 0], sizes = [1, 128], strides = [1, 1]} : vector<20x128xi32> to vector<1x128xi32>
    %slice3A_453 = vector.extract_strided_slice %get3A_439 {offsets = [13, 0], sizes = [1, 128], strides = [1, 1]} : vector<20x128xi32> to vector<1x128xi32>
    %slice3A_454 = vector.extract_strided_slice %get3A_439 {offsets = [14, 0], sizes = [1, 128], strides = [1, 1]} : vector<20x128xi32> to vector<1x128xi32>
    %slice3A_455 = vector.extract_strided_slice %get3A_439 {offsets = [15, 0], sizes = [1, 128], strides = [1, 1]} : vector<20x128xi32> to vector<1x128xi32>
    %slice3A_456 = vector.extract_strided_slice %get3A_439 {offsets = [16, 0], sizes = [1, 128], strides = [1, 1]} : vector<20x128xi32> to vector<1x128xi32>
    %slice3A_457 = vector.extract_strided_slice %get3A_439 {offsets = [17, 0], sizes = [1, 128], strides = [1, 1]} : vector<20x128xi32> to vector<1x128xi32>
    %slice3A_458 = vector.extract_strided_slice %get3A_439 {offsets = [18, 0], sizes = [1, 128], strides = [1, 1]} : vector<20x128xi32> to vector<1x128xi32>
    %slice3A_459 = vector.extract_strided_slice %get3A_439 {offsets = [19, 0], sizes = [1, 128], strides = [1, 1]} : vector<20x128xi32> to vector<1x128xi32>
    %concatenate3A_460 = tpu.concatenate %slice3A_440, %slice3A_441, %slice3A_442, %slice3A_443, %slice3A_444, %slice3A_445, %slice3A_446, %slice3A_447, %slice3A_448, %slice3A_449, %slice3A_450, %slice3A_451, %slice3A_452, %slice3A_453, %slice3A_454, %slice3A_455, %slice3A_456, %slice3A_457, %slice3A_458, %slice3A_459 in 1 : vector<1x128xi32>, vector<1x128xi32>, vector<1x128xi32>, vector<1x128xi32>, vector<1x128xi32>, vector<1x128xi32>, vector<1x128xi32>, vector<1x128xi32>, vector<1x128xi32>, vector<1x128xi32>, vector<1x128xi32>, vector<1x128xi32>, vector<1x128xi32>, vector<1x128xi32>, vector<1x128xi32>, vector<1x128xi32>, vector<1x128xi32>, vector<1x128xi32>, vector<1x128xi32>, vector<1x128xi32> -> vector<1x2560xi32>
    %iota3A_461 = tpu.iota {dimensions = array<i32: 0>} : vector<128x1xi32>
    %add3A_462 = arith.constant 0 : i32
    %add3A_463 = vector.broadcast %add3A_462 : i32 to vector<128x1xi32>
    %add3A_464 = arith.addi %iota3A_461, %add3A_463 : vector<128x1xi32>
    %eq3A_465 = vector.broadcast %add3A_436 : vector<1x2560xi32> to vector<128x2560xi32>
    %eq3A_466 = vector.broadcast %add3A_464 : vector<128x1xi32> to vector<128x2560xi32>
    %eq3A_467 = arith.cmpi eq, %eq3A_465, %eq3A_466 : vector<128x2560xi32>
    %jit3A = arith.constant 0.000000e+00 : f32
    %broadcast_in_dim3A_468 = vector.shape_cast %mul3A_41 : vector<1x2560xf32> to vector<1x2560xf32>
    %broadcast_in_dim3A_469 = vector.broadcast %broadcast_in_dim3A_468 : vector<1x2560xf32> to vector<128x2560xf32>
    %broadcast_in_dim3A_470 = vector.broadcast %jit3A : f32 to vector<128x2560xf32>
    %select_n3A = arith.select %eq3A_467, %broadcast_in_dim3A_469, %broadcast_in_dim3A_470 : vector<128x2560xi1>, vector<128x2560xf32>
    %reduce_sum3A_471 = arith.constant dense<0.000000e+00> : vector<128xf32>
    %reduce_sum3A_472 = vector.multi_reduction <add>, %select_n3A, %reduce_sum3A_471 [1] : vector<128x2560xf32> to vector<128xf32>
    %broadcast_in_dim3A_473 = vector.shape_cast %reduce_sum3A_472 : vector<128xf32> to vector<128x1xf32>
    %jit3A_474 = arith.constant 0 : i32
    %broadcast_in_dim3A_475 = vector.shape_cast %concatenate3A_460 : vector<1x2560xi32> to vector<1x2560xi32>
    %broadcast_in_dim3A_476 = vector.broadcast %broadcast_in_dim3A_475 : vector<1x2560xi32> to vector<128x2560xi32>
    %broadcast_in_dim3A_477 = vector.broadcast %jit3A_474 : i32 to vector<128x2560xi32>
    %select_n3A_478 = arith.select %eq3A_467, %broadcast_in_dim3A_476, %broadcast_in_dim3A_477 : vector<128x2560xi1>, vector<128x2560xi32>
    %reduce_sum3A_479 = arith.constant dense<0> : vector<128xi32>
    %reduce_sum3A_480 = vector.multi_reduction <add>, %select_n3A_478, %reduce_sum3A_479 [1] : vector<128x2560xi32> to vector<128xi32>
    %broadcast_in_dim3A_481 = vector.shape_cast %reduce_sum3A_480 : vector<128xi32> to vector<128x1xi32>
    %swap3A = arith.constant 0 : index
    %swap3A_482 = arith.constant 0 : index
    %swap3A_483 = vector.load %arg4[%swap3A, %swap3A_482] : memref<1024x1xf32, #tpu.memory_space<vmem>>, vector<128x1xf32>
    tpu.vector_store %arg4[%swap3A, %swap3A_482], %broadcast_in_dim3A_473 {strides = array<i32>} : memref<1024x1xf32, #tpu.memory_space<vmem>>, vector<128x1xf32>,
    %swap3A_484 = arith.constant 0 : index
    %swap3A_485 = arith.constant 0 : index
    %swap3A_486 = vector.load %arg5[%swap3A_484, %swap3A_485] : memref<1024x1xi32, #tpu.memory_space<vmem>>, vector<128x1xi32>
    tpu.vector_store %arg5[%swap3A_484, %swap3A_485], %broadcast_in_dim3A_481 {strides = array<i32>} : memref<1024x1xi32, #tpu.memory_space<vmem>>, vector<128x1xi32>,
    %iota3A_487 = tpu.iota {dimensions = array<i32: 0>} : vector<128x1xi32>
    %add3A_488 = arith.constant 128 : i32
    %add3A_489 = vector.broadcast %add3A_488 : i32 to vector<128x1xi32>
    %add3A_490 = arith.addi %iota3A_487, %add3A_489 : vector<128x1xi32>
    %eq3A_491 = vector.broadcast %add3A_436 : vector<1x2560xi32> to vector<128x2560xi32>
    %eq3A_492 = vector.broadcast %add3A_490 : vector<128x1xi32> to vector<128x2560xi32>
    %eq3A_493 = arith.cmpi eq, %eq3A_491, %eq3A_492 : vector<128x2560xi32>
    %jit3A_494 = arith.constant 0.000000e+00 : f32
    %broadcast_in_dim3A_495 = vector.shape_cast %mul3A_41 : vector<1x2560xf32> to vector<1x2560xf32>
    %broadcast_in_dim3A_496 = vector.broadcast %broadcast_in_dim3A_495 : vector<1x2560xf32> to vector<128x2560xf32>
    %broadcast_in_dim3A_497 = vector.broadcast %jit3A_494 : f32 to vector<128x2560xf32>
    %select_n3A_498 = arith.select %eq3A_493, %broadcast_in_dim3A_496, %broadcast_in_dim3A_497 : vector<128x2560xi1>, vector<128x2560xf32>
    %reduce_sum3A_499 = arith.constant dense<0.000000e+00> : vector<128xf32>
    %reduce_sum3A_500 = vector.multi_reduction <add>, %select_n3A_498, %reduce_sum3A_499 [1] : vector<128x2560xf32> to vector<128xf32>
    %broadcast_in_dim3A_501 = vector.shape_cast %reduce_sum3A_500 : vector<128xf32> to vector<128x1xf32>
    %jit3A_502 = arith.constant 0 : i32
    %broadcast_in_dim3A_503 = vector.shape_cast %concatenate3A_460 : vector<1x2560xi32> to vector<1x2560xi32>
    %broadcast_in_dim3A_504 = vector.broadcast %broadcast_in_dim3A_503 : vector<1x2560xi32> to vector<128x2560xi32>
    %broadcast_in_dim3A_505 = vector.broadcast %jit3A_502 : i32 to vector<128x2560xi32>
    %select_n3A_506 = arith.select %eq3A_493, %broadcast_in_dim3A_504, %broadcast_in_dim3A_505 : vector<128x2560xi1>, vector<128x2560xi32>
    %reduce_sum3A_507 = arith.constant dense<0> : vector<128xi32>
    %reduce_sum3A_508 = vector.multi_reduction <add>, %select_n3A_506, %reduce_sum3A_507 [1] : vector<128x2560xi32> to vector<128xi32>
    %broadcast_in_dim3A_509 = vector.shape_cast %reduce_sum3A_508 : vector<128xi32> to vector<128x1xi32>
    %swap3A_510 = arith.constant 128 : index
    %swap3A_511 = arith.constant 0 : index
    %swap3A_512 = vector.load %arg4[%swap3A_510, %swap3A_511] : memref<1024x1xf32, #tpu.memory_space<vmem>>, vector<128x1xf32>
    tpu.vector_store %arg4[%swap3A_510, %swap3A_511], %broadcast_in_dim3A_501 {strides = array<i32>} : memref<1024x1xf32, #tpu.memory_space<vmem>>, vector<128x1xf32>,
    %swap3A_513 = arith.constant 128 : index
    %swap3A_514 = arith.constant 0 : index
    %swap3A_515 = vector.load %arg5[%swap3A_513, %swap3A_514] : memref<1024x1xi32, #tpu.memory_space<vmem>>, vector<128x1xi32>
    tpu.vector_store %arg5[%swap3A_513, %swap3A_514], %broadcast_in_dim3A_509 {strides = array<i32>} : memref<1024x1xi32, #tpu.memory_space<vmem>>, vector<128x1xi32>,
    %iota3A_516 = tpu.iota {dimensions = array<i32: 0>} : vector<128x1xi32>
    %add3A_517 = arith.constant 256 : i32
    %add3A_518 = vector.broadcast %add3A_517 : i32 to vector<128x1xi32>
    %add3A_519 = arith.addi %iota3A_516, %add3A_518 : vector<128x1xi32>
    %eq3A_520 = vector.broadcast %add3A_436 : vector<1x2560xi32> to vector<128x2560xi32>
    %eq3A_521 = vector.broadcast %add3A_519 : vector<128x1xi32> to vector<128x2560xi32>
    %eq3A_522 = arith.cmpi eq, %eq3A_520, %eq3A_521 : vector<128x2560xi32>
    %jit3A_523 = arith.constant 0.000000e+00 : f32
    %broadcast_in_dim3A_524 = vector.shape_cast %mul3A_41 : vector<1x2560xf32> to vector<1x2560xf32>
    %broadcast_in_dim3A_525 = vector.broadcast %broadcast_in_dim3A_524 : vector<1x2560xf32> to vector<128x2560xf32>
    %broadcast_in_dim3A_526 = vector.broadcast %jit3A_523 : f32 to vector<128x2560xf32>
    %select_n3A_527 = arith.select %eq3A_522, %broadcast_in_dim3A_525, %broadcast_in_dim3A_526 : vector<128x2560xi1>, vector<128x2560xf32>
    %reduce_sum3A_528 = arith.constant dense<0.000000e+00> : vector<128xf32>
    %reduce_sum3A_529 = vector.multi_reduction <add>, %select_n3A_527, %reduce_sum3A_528 [1] : vector<128x2560xf32> to vector<128xf32>
    %broadcast_in_dim3A_530 = vector.shape_cast %reduce_sum3A_529 : vector<128xf32> to vector<128x1xf32>
    %jit3A_531 = arith.constant 0 : i32
    %broadcast_in_dim3A_532 = vector.shape_cast %concatenate3A_460 : vector<1x2560xi32> to vector<1x2560xi32>
    %broadcast_in_dim3A_533 = vector.broadcast %broadcast_in_dim3A_532 : vector<1x2560xi32> to vector<128x2560xi32>
    %broadcast_in_dim3A_534 = vector.broadcast %jit3A_531 : i32 to vector<128x2560xi32>
    %select_n3A_535 = arith.select %eq3A_522, %broadcast_in_dim3A_533, %broadcast_in_dim3A_534 : vector<128x2560xi1>, vector<128x2560xi32>
    %reduce_sum3A_536 = arith.constant dense<0> : vector<128xi32>
    %reduce_sum3A_537 = vector.multi_reduction <add>, %select_n3A_535, %reduce_sum3A_536 [1] : vector<128x2560xi32> to vector<128xi32>
    %broadcast_in_dim3A_538 = vector.shape_cast %reduce_sum3A_537 : vector<128xi32> to vector<128x1xi32>
    %swap3A_539 = arith.constant 256 : index
    %swap3A_540 = arith.constant 0 : index
    %swap3A_541 = vector.load %arg4[%swap3A_539, %swap3A_540] : memref<1024x1xf32, #tpu.memory_space<vmem>>, vector<128x1xf32>
    tpu.vector_store %arg4[%swap3A_539, %swap3A_540], %broadcast_in_dim3A_530 {strides = array<i32>} : memref<1024x1xf32, #tpu.memory_space<vmem>>, vector<128x1xf32>,
    %swap3A_542 = arith.constant 256 : index
    %swap3A_543 = arith.constant 0 : index
    %swap3A_544 = vector.load %arg5[%swap3A_542, %swap3A_543] : memref<1024x1xi32, #tpu.memory_space<vmem>>, vector<128x1xi32>
    tpu.vector_store %arg5[%swap3A_542, %swap3A_543], %broadcast_in_dim3A_538 {strides = array<i32>} : memref<1024x1xi32, #tpu.memory_space<vmem>>, vector<128x1xi32>,
    %iota3A_545 = tpu.iota {dimensions = array<i32: 0>} : vector<128x1xi32>
    %add3A_546 = arith.constant 384 : i32
    %add3A_547 = vector.broadcast %add3A_546 : i32 to vector<128x1xi32>
    %add3A_548 = arith.addi %iota3A_545, %add3A_547 : vector<128x1xi32>
    %eq3A_549 = vector.broadcast %add3A_436 : vector<1x2560xi32> to vector<128x2560xi32>
    %eq3A_550 = vector.broadcast %add3A_548 : vector<128x1xi32> to vector<128x2560xi32>
    %eq3A_551 = arith.cmpi eq, %eq3A_549, %eq3A_550 : vector<128x2560xi32>
    %jit3A_552 = arith.constant 0.000000e+00 : f32
    %broadcast_in_dim3A_553 = vector.shape_cast %mul3A_41 : vector<1x2560xf32> to vector<1x2560xf32>
    %broadcast_in_dim3A_554 = vector.broadcast %broadcast_in_dim3A_553 : vector<1x2560xf32> to vector<128x2560xf32>
    %broadcast_in_dim3A_555 = vector.broadcast %jit3A_552 : f32 to vector<128x2560xf32>
    %select_n3A_556 = arith.select %eq3A_551, %broadcast_in_dim3A_554, %broadcast_in_dim3A_555 : vector<128x2560xi1>, vector<128x2560xf32>
    %reduce_sum3A_557 = arith.constant dense<0.000000e+00> : vector<128xf32>
    %reduce_sum3A_558 = vector.multi_reduction <add>, %select_n3A_556, %reduce_sum3A_557 [1] : vector<128x2560xf32> to vector<128xf32>
    %broadcast_in_dim3A_559 = vector.shape_cast %reduce_sum3A_558 : vector<128xf32> to vector<128x1xf32>
    %jit3A_560 = arith.constant 0 : i32
    %broadcast_in_dim3A_561 = vector.shape_cast %concatenate3A_460 : vector<1x2560xi32> to vector<1x2560xi32>
    %broadcast_in_dim3A_562 = vector.broadcast %broadcast_in_dim3A_561 : vector<1x2560xi32> to vector<128x2560xi32>
    %broadcast_in_dim3A_563 = vector.broadcast %jit3A_560 : i32 to vector<128x2560xi32>
    %select_n3A_564 = arith.select %eq3A_551, %broadcast_in_dim3A_562, %broadcast_in_dim3A_563 : vector<128x2560xi1>, vector<128x2560xi32>
    %reduce_sum3A_565 = arith.constant dense<0> : vector<128xi32>
    %reduce_sum3A_566 = vector.multi_reduction <add>, %select_n3A_564, %reduce_sum3A_565 [1] : vector<128x2560xi32> to vector<128xi32>
    %broadcast_in_dim3A_567 = vector.shape_cast %reduce_sum3A_566 : vector<128xi32> to vector<128x1xi32>
    %swap3A_568 = arith.constant 384 : index
    %swap3A_569 = arith.constant 0 : index
    %swap3A_570 = vector.load %arg4[%swap3A_568, %swap3A_569] : memref<1024x1xf32, #tpu.memory_space<vmem>>, vector<128x1xf32>
    tpu.vector_store %arg4[%swap3A_568, %swap3A_569], %broadcast_in_dim3A_559 {strides = array<i32>} : memref<1024x1xf32, #tpu.memory_space<vmem>>, vector<128x1xf32>,
    %swap3A_571 = arith.constant 384 : index
    %swap3A_572 = arith.constant 0 : index
    %swap3A_573 = vector.load %arg5[%swap3A_571, %swap3A_572] : memref<1024x1xi32, #tpu.memory_space<vmem>>, vector<128x1xi32>
    tpu.vector_store %arg5[%swap3A_571, %swap3A_572], %broadcast_in_dim3A_567 {strides = array<i32>} : memref<1024x1xi32, #tpu.memory_space<vmem>>, vector<128x1xi32>,
    %iota3A_574 = tpu.iota {dimensions = array<i32: 0>} : vector<128x1xi32>
    %add3A_575 = arith.constant 512 : i32
    %add3A_576 = vector.broadcast %add3A_575 : i32 to vector<128x1xi32>
    %add3A_577 = arith.addi %iota3A_574, %add3A_576 : vector<128x1xi32>
    %eq3A_578 = vector.broadcast %add3A_436 : vector<1x2560xi32> to vector<128x2560xi32>
    %eq3A_579 = vector.broadcast %add3A_577 : vector<128x1xi32> to vector<128x2560xi32>
    %eq3A_580 = arith.cmpi eq, %eq3A_578, %eq3A_579 : vector<128x2560xi32>
    %jit3A_581 = arith.constant 0.000000e+00 : f32
    %broadcast_in_dim3A_582 = vector.shape_cast %mul3A_41 : vector<1x2560xf32> to vector<1x2560xf32>
    %broadcast_in_dim3A_583 = vector.broadcast %broadcast_in_dim3A_582 : vector<1x2560xf32> to vector<128x2560xf32>
    %broadcast_in_dim3A_584 = vector.broadcast %jit3A_581 : f32 to vector<128x2560xf32>
    %select_n3A_585 = arith.select %eq3A_580, %broadcast_in_dim3A_583, %broadcast_in_dim3A_584 : vector<128x2560xi1>, vector<128x2560xf32>
    %reduce_sum3A_586 = arith.constant dense<0.000000e+00> : vector<128xf32>
    %reduce_sum3A_587 = vector.multi_reduction <add>, %select_n3A_585, %reduce_sum3A_586 [1] : vector<128x2560xf32> to vector<128xf32>
    %broadcast_in_dim3A_588 = vector.shape_cast %reduce_sum3A_587 : vector<128xf32> to vector<128x1xf32>
    %jit3A_589 = arith.constant 0 : i32
    %broadcast_in_dim3A_590 = vector.shape_cast %concatenate3A_460 : vector<1x2560xi32> to vector<1x2560xi32>
    %broadcast_in_dim3A_591 = vector.broadcast %broadcast_in_dim3A_590 : vector<1x2560xi32> to vector<128x2560xi32>
    %broadcast_in_dim3A_592 = vector.broadcast %jit3A_589 : i32 to vector<128x2560xi32>
    %select_n3A_593 = arith.select %eq3A_580, %broadcast_in_dim3A_591, %broadcast_in_dim3A_592 : vector<128x2560xi1>, vector<128x2560xi32>
    %reduce_sum3A_594 = arith.constant dense<0> : vector<128xi32>
    %reduce_sum3A_595 = vector.multi_reduction <add>, %select_n3A_593, %reduce_sum3A_594 [1] : vector<128x2560xi32> to vector<128xi32>
    %broadcast_in_dim3A_596 = vector.shape_cast %reduce_sum3A_595 : vector<128xi32> to vector<128x1xi32>
    %swap3A_597 = arith.constant 512 : index
    %swap3A_598 = arith.constant 0 : index
    %swap3A_599 = vector.load %arg4[%swap3A_597, %swap3A_598] : memref<1024x1xf32, #tpu.memory_space<vmem>>, vector<128x1xf32>
    tpu.vector_store %arg4[%swap3A_597, %swap3A_598], %broadcast_in_dim3A_588 {strides = array<i32>} : memref<1024x1xf32, #tpu.memory_space<vmem>>, vector<128x1xf32>,
    %swap3A_600 = arith.constant 512 : index
    %swap3A_601 = arith.constant 0 : index
    %swap3A_602 = vector.load %arg5[%swap3A_600, %swap3A_601] : memref<1024x1xi32, #tpu.memory_space<vmem>>, vector<128x1xi32>
    tpu.vector_store %arg5[%swap3A_600, %swap3A_601], %broadcast_in_dim3A_596 {strides = array<i32>} : memref<1024x1xi32, #tpu.memory_space<vmem>>, vector<128x1xi32>,
    %iota3A_603 = tpu.iota {dimensions = array<i32: 0>} : vector<128x1xi32>
    %add3A_604 = arith.constant 640 : i32
    %add3A_605 = vector.broadcast %add3A_604 : i32 to vector<128x1xi32>
    %add3A_606 = arith.addi %iota3A_603, %add3A_605 : vector<128x1xi32>
    %eq3A_607 = vector.broadcast %add3A_436 : vector<1x2560xi32> to vector<128x2560xi32>
    %eq3A_608 = vector.broadcast %add3A_606 : vector<128x1xi32> to vector<128x2560xi32>
    %eq3A_609 = arith.cmpi eq, %eq3A_607, %eq3A_608 : vector<128x2560xi32>
    %jit3A_610 = arith.constant 0.000000e+00 : f32
    %broadcast_in_dim3A_611 = vector.shape_cast %mul3A_41 : vector<1x2560xf32> to vector<1x2560xf32>
    %broadcast_in_dim3A_612 = vector.broadcast %broadcast_in_dim3A_611 : vector<1x2560xf32> to vector<128x2560xf32>
    %broadcast_in_dim3A_613 = vector.broadcast %jit3A_610 : f32 to vector<128x2560xf32>
    %select_n3A_614 = arith.select %eq3A_609, %broadcast_in_dim3A_612, %broadcast_in_dim3A_613 : vector<128x2560xi1>, vector<128x2560xf32>
    %reduce_sum3A_615 = arith.constant dense<0.000000e+00> : vector<128xf32>
    %reduce_sum3A_616 = vector.multi_reduction <add>, %select_n3A_614, %reduce_sum3A_615 [1] : vector<128x2560xf32> to vector<128xf32>
    %broadcast_in_dim3A_617 = vector.shape_cast %reduce_sum3A_616 : vector<128xf32> to vector<128x1xf32>
    %jit3A_618 = arith.constant 0 : i32
    %broadcast_in_dim3A_619 = vector.shape_cast %concatenate3A_460 : vector<1x2560xi32> to vector<1x2560xi32>
    %broadcast_in_dim3A_620 = vector.broadcast %broadcast_in_dim3A_619 : vector<1x2560xi32> to vector<128x2560xi32>
    %broadcast_in_dim3A_621 = vector.broadcast %jit3A_618 : i32 to vector<128x2560xi32>
    %select_n3A_622 = arith.select %eq3A_609, %broadcast_in_dim3A_620, %broadcast_in_dim3A_621 : vector<128x2560xi1>, vector<128x2560xi32>
    %reduce_sum3A_623 = arith.constant dense<0> : vector<128xi32>
    %reduce_sum3A_624 = vector.multi_reduction <add>, %select_n3A_622, %reduce_sum3A_623 [1] : vector<128x2560xi32> to vector<128xi32>
    %broadcast_in_dim3A_625 = vector.shape_cast %reduce_sum3A_624 : vector<128xi32> to vector<128x1xi32>
    %swap3A_626 = arith.constant 640 : index
    %swap3A_627 = arith.constant 0 : index
    %swap3A_628 = vector.load %arg4[%swap3A_626, %swap3A_627] : memref<1024x1xf32, #tpu.memory_space<vmem>>, vector<128x1xf32>
    tpu.vector_store %arg4[%swap3A_626, %swap3A_627], %broadcast_in_dim3A_617 {strides = array<i32>} : memref<1024x1xf32, #tpu.memory_space<vmem>>, vector<128x1xf32>,
    %swap3A_629 = arith.constant 640 : index
    %swap3A_630 = arith.constant 0 : index
    %swap3A_631 = vector.load %arg5[%swap3A_629, %swap3A_630] : memref<1024x1xi32, #tpu.memory_space<vmem>>, vector<128x1xi32>
    tpu.vector_store %arg5[%swap3A_629, %swap3A_630], %broadcast_in_dim3A_625 {strides = array<i32>} : memref<1024x1xi32, #tpu.memory_space<vmem>>, vector<128x1xi32>,
    %iota3A_632 = tpu.iota {dimensions = array<i32: 0>} : vector<128x1xi32>
    %add3A_633 = arith.constant 768 : i32
    %add3A_634 = vector.broadcast %add3A_633 : i32 to vector<128x1xi32>
    %add3A_635 = arith.addi %iota3A_632, %add3A_634 : vector<128x1xi32>
    %eq3A_636 = vector.broadcast %add3A_436 : vector<1x2560xi32> to vector<128x2560xi32>
    %eq3A_637 = vector.broadcast %add3A_635 : vector<128x1xi32> to vector<128x2560xi32>
    %eq3A_638 = arith.cmpi eq, %eq3A_636, %eq3A_637 : vector<128x2560xi32>
    %jit3A_639 = arith.constant 0.000000e+00 : f32
    %broadcast_in_dim3A_640 = vector.shape_cast %mul3A_41 : vector<1x2560xf32> to vector<1x2560xf32>
    %broadcast_in_dim3A_641 = vector.broadcast %broadcast_in_dim3A_640 : vector<1x2560xf32> to vector<128x2560xf32>
    %broadcast_in_dim3A_642 = vector.broadcast %jit3A_639 : f32 to vector<128x2560xf32>
    %select_n3A_643 = arith.select %eq3A_638, %broadcast_in_dim3A_641, %broadcast_in_dim3A_642 : vector<128x2560xi1>, vector<128x2560xf32>
    %reduce_sum3A_644 = arith.constant dense<0.000000e+00> : vector<128xf32>
    %reduce_sum3A_645 = vector.multi_reduction <add>, %select_n3A_643, %reduce_sum3A_644 [1] : vector<128x2560xf32> to vector<128xf32>
    %broadcast_in_dim3A_646 = vector.shape_cast %reduce_sum3A_645 : vector<128xf32> to vector<128x1xf32>
    %jit3A_647 = arith.constant 0 : i32
    %broadcast_in_dim3A_648 = vector.shape_cast %concatenate3A_460 : vector<1x2560xi32> to vector<1x2560xi32>
    %broadcast_in_dim3A_649 = vector.broadcast %broadcast_in_dim3A_648 : vector<1x2560xi32> to vector<128x2560xi32>
    %broadcast_in_dim3A_650 = vector.broadcast %jit3A_647 : i32 to vector<128x2560xi32>
    %select_n3A_651 = arith.select %eq3A_638, %broadcast_in_dim3A_649, %broadcast_in_dim3A_650 : vector<128x2560xi1>, vector<128x2560xi32>
    %reduce_sum3A_652 = arith.constant dense<0> : vector<128xi32>
    %reduce_sum3A_653 = vector.multi_reduction <add>, %select_n3A_651, %reduce_sum3A_652 [1] : vector<128x2560xi32> to vector<128xi32>
    %broadcast_in_dim3A_654 = vector.shape_cast %reduce_sum3A_653 : vector<128xi32> to vector<128x1xi32>
    %swap3A_655 = arith.constant 768 : index
    %swap3A_656 = arith.constant 0 : index
    %swap3A_657 = vector.load %arg4[%swap3A_655, %swap3A_656] : memref<1024x1xf32, #tpu.memory_space<vmem>>, vector<128x1xf32>
    tpu.vector_store %arg4[%swap3A_655, %swap3A_656], %broadcast_in_dim3A_646 {strides = array<i32>} : memref<1024x1xf32, #tpu.memory_space<vmem>>, vector<128x1xf32>,
    %swap3A_658 = arith.constant 768 : index
    %swap3A_659 = arith.constant 0 : index
    %swap3A_660 = vector.load %arg5[%swap3A_658, %swap3A_659] : memref<1024x1xi32, #tpu.memory_space<vmem>>, vector<128x1xi32>
    tpu.vector_store %arg5[%swap3A_658, %swap3A_659], %broadcast_in_dim3A_654 {strides = array<i32>} : memref<1024x1xi32, #tpu.memory_space<vmem>>, vector<128x1xi32>,
    %iota3A_661 = tpu.iota {dimensions = array<i32: 0>} : vector<128x1xi32>
    %add3A_662 = arith.constant 896 : i32
    %add3A_663 = vector.broadcast %add3A_662 : i32 to vector<128x1xi32>
    %add3A_664 = arith.addi %iota3A_661, %add3A_663 : vector<128x1xi32>
    %eq3A_665 = vector.broadcast %add3A_436 : vector<1x2560xi32> to vector<128x2560xi32>
    %eq3A_666 = vector.broadcast %add3A_664 : vector<128x1xi32> to vector<128x2560xi32>
    %eq3A_667 = arith.cmpi eq, %eq3A_665, %eq3A_666 : vector<128x2560xi32>
    %jit3A_668 = arith.constant 0.000000e+00 : f32
    %broadcast_in_dim3A_669 = vector.shape_cast %mul3A_41 : vector<1x2560xf32> to vector<1x2560xf32>
    %broadcast_in_dim3A_670 = vector.broadcast %broadcast_in_dim3A_669 : vector<1x2560xf32> to vector<128x2560xf32>
    %broadcast_in_dim3A_671 = vector.broadcast %jit3A_668 : f32 to vector<128x2560xf32>
    %select_n3A_672 = arith.select %eq3A_667, %broadcast_in_dim3A_670, %broadcast_in_dim3A_671 : vector<128x2560xi1>, vector<128x2560xf32>
    %reduce_sum3A_673 = arith.constant dense<0.000000e+00> : vector<128xf32>
    %reduce_sum3A_674 = vector.multi_reduction <add>, %select_n3A_672, %reduce_sum3A_673 [1] : vector<128x2560xf32> to vector<128xf32>
    %broadcast_in_dim3A_675 = vector.shape_cast %reduce_sum3A_674 : vector<128xf32> to vector<128x1xf32>
    %jit3A_676 = arith.constant 0 : i32
    %broadcast_in_dim3A_677 = vector.shape_cast %concatenate3A_460 : vector<1x2560xi32> to vector<1x2560xi32>
    %broadcast_in_dim3A_678 = vector.broadcast %broadcast_in_dim3A_677 : vector<1x2560xi32> to vector<128x2560xi32>
    %broadcast_in_dim3A_679 = vector.broadcast %jit3A_676 : i32 to vector<128x2560xi32>
    %select_n3A_680 = arith.select %eq3A_667, %broadcast_in_dim3A_678, %broadcast_in_dim3A_679 : vector<128x2560xi1>, vector<128x2560xi32>
    %reduce_sum3A_681 = arith.constant dense<0> : vector<128xi32>
    %reduce_sum3A_682 = vector.multi_reduction <add>, %select_n3A_680, %reduce_sum3A_681 [1] : vector<128x2560xi32> to vector<128xi32>
    %broadcast_in_dim3A_683 = vector.shape_cast %reduce_sum3A_682 : vector<128xi32> to vector<128x1xi32>
    %swap3A_684 = arith.constant 896 : index
    %swap3A_685 = arith.constant 0 : index
    %swap3A_686 = vector.load %arg4[%swap3A_684, %swap3A_685] : memref<1024x1xf32, #tpu.memory_space<vmem>>, vector<128x1xf32>
    tpu.vector_store %arg4[%swap3A_684, %swap3A_685], %broadcast_in_dim3A_675 {strides = array<i32>} : memref<1024x1xf32, #tpu.memory_space<vmem>>, vector<128x1xf32>,
    %swap3A_687 = arith.constant 896 : index
    %swap3A_688 = arith.constant 0 : index
    %swap3A_689 = vector.load %arg5[%swap3A_687, %swap3A_688] : memref<1024x1xi32, #tpu.memory_space<vmem>>, vector<128x1xi32>
    tpu.vector_store %arg5[%swap3A_687, %swap3A_688], %broadcast_in_dim3A_683 {strides = array<i32>} : memref<1024x1xi32, #tpu.memory_space<vmem>>, vector<128x1xi32>,
    return
  }
}

</mosaic_0001>

<sc_bundles>
// kernel: kernel.5.cloned.1.call-start
scs
__scs_entry_jumppad:
0x0: {  	(pc) =	sbr.rel $0x88, $3  }
0x1: {  	(tag) =	ssettag $0x0;
	lr =	simm.s32 $0x1  }
0x2: {  	[smem:$0x3F99] =	sst lr;
	_ =	strace $0xD0000000  }
0x3: {  	_ = 	snop  }
0x4: {  	_ = 	snop  }
0x5: {  	_ = 	snop  }
0x6: {  	_ = 	snop  }
0x7: {  	_ = 	snop  }
__scs_overlays_trampoline_lowered:
0x8: {  	[smem:$0x3FA8] =	sst s0  }
0x9: {  	[smem:$0x3FA9] =	sst s1  }
0xa: {  	[smem:$0x3FAA] =	sst s2  }
0xb: {  	[smem:$0x3FAB] =	sst s3  }
0xc: {  	[smem:$0x3FAC] =	sst s4  }
0xd: {  	[smem:$0x3FAD] =	sst s5  }
0xe: {  	[smem:$0x3FAE] =	sst s6  }
0xf: {  	[smem:$0x3FAF] =	sst s7  }
0x10: {  	[smem:$0x3FB0] =	sst s8  }
0x11: {  	[smem:$0x3FB1] =	sst s9;
	s0 =	simm.s32 @!p0 $0x0  }
0x12: {  	s1 =	sld [smem:$0x3F97];
	s0 =	simm.s32 @p0 $0x1  }
0x13: {  	[smem:$0x3FB2] =	sst s0;
	s0 =	simm.s32 @!p1 $0x0  }
0x14: {  	s2 =	sld [smem:$0x3F96];
	s0 =	simm.s32 @p1 $0x1  }
0x15: {  	[smem:$0x3FB3] =	sst s0;
	s0 =	simm.s32 @!p2 $0x0  }
0x16: {  	s3 =	sld [smem:$0x3FDB];
	s0 =	simm.s32 @p2 $0x1  }
0x17: {  	s4 =	simm.s32 $0x1BF5;
	[smem:$0x3FB5] =	sst s0  }
0x18: {  	s0 =	sld [smem:$0x3F98];
	_ =	swait.ge [sflag:s4], $0x0  }
0x19: {  	s7 =	sld [smem:$0x3F99]  }
0x1a: {  	s8 =	sadd.s32 $0xFFFFE003, lr  }
0x1b: {  	s9 =	sadd.s32 $0xFFFFFEF7, lr;
	s5 =	simm.s32 $0xFFFFFFFF;
	p2 =	slt.u32 s8, $0xFFFFF086  }
0x1c: {  	p1 =	slt.u32 s9, $0xF7A;
	s5 =	simm.s32 @!p2 $0x0  }
0x1d: {  	s5 =	simm.s32 @p1 $0x1;
	p0 =	seq.s32 s7, s2  }
0x1e: {  	s7 =	smul.u32 @!p0 $0xF7A, s2;
	p2 =	seq.s32 @!p0 s5, $0x0  }
0x1f: {  	s9 =	smul.u32 $0xF7A, s1;
	s8 =	simm.s32 @!p0 $0x1BF5;
	p2 =	por !p2, p0  }
0x20: {  	[sflag:s8] =	ssyncset.s32 @!p0 $0xFFFFF086;
	s6 =	sadd.s32 @!p0 s3, s7;
	s7 =	simm.s32 @!p0 $0x108  }
0x21: {  	s3 =	sadd.s32 s3, s9;
	s6 =	sadd.s32 @!p0 $0x88, s6;
	s7 =	simm.s32 @p2 $0x1082  }
0x22: {  	[simem:s7], [sflag:s8] =	dma.local @!p0 [hbm:s6], $0xF7A  }
0x23: {  	s9 =	sor.u32 $0xD0000000, s2;
	s6 =	simm.s32 $0x108;
	_ =	swait.ge @!p0 [sflag:s8], $0x0  }
0x24: {  	s3 =	sadd.s32 $0x88, s3;
	s6 =	simm.s32 @!p1 $0x1082;
	[sflag:s4] =	ssyncset.s32 $0xFFFFF086  }
0x25: {  	[simem:s6], [sflag:s4] =	dma.local [hbm:s3], $0xF7A  }
0x26: {  	[smem:$0x3F99] =	sst s1;
	(tag) =	ssettag s2;
	_ =	strace s9  }
0x27: {  	s1 =	sld [smem:$0x3FA9]  }
0x28: {  	s2 =	sld [smem:$0x3FAA]  }
0x29: {  	s4 =	sld [smem:$0x3FAC]  }
0x2a: {  	p0 =	seq.s32 s5, $0x0;
	s5 =	sld [smem:$0x3FAD]  }
0x2b: {  	s6 =	sld [smem:$0x3FAE]  }
0x2c: {  	s7 =	sld [smem:$0x3FAF]  }
0x2d: {  	s3 =	simm.s32 $0x108;
	s8 =	sld [smem:$0x3FB0]  }
0x2e: {  	s3 =	simm.s32 @!p0 $0x1082;
	s9 =	sld [smem:$0x3FB1]  }
0x2f: {  	lr =	sadd.s32 s0, s3;
	s0 =	sld [smem:$0x3FA8]  }
0x30: {  	s3 =	sld [smem:$0x3FAB]  }
0x31: {  	[smem:$0x3FB4] =	sst s10  }
0x32: {  	s10 =	sld [smem:$0x3FB2];
	_ =	sdelay $0x3  }
0x33: {  	p0 =	seq.s32 s10, $0x1;
	s10 =	sld [smem:$0x3FB4];
	_ =	sdelay $0x3  }
0x34: {  	[smem:$0x3FB4] =	sst s10  }
0x35: {  	s10 =	sld [smem:$0x3FB3];
	_ =	sdelay $0x3  }
0x36: {  	p1 =	seq.s32 s10, $0x1;
	s10 =	sld [smem:$0x3FB4];
	_ =	sdelay $0x3  }
0x37: {  	[smem:$0x3FB4] =	sst s10  }
0x38: {  	s10 =	sld [smem:$0x3FB5]  }
0x39: {  	_ = 	snop;
	(pc) =	sbr.ind lr, $3  }
0x3a: {  	_ = 	snop  }
0x3b: {  	_ = 	snop  }
0x3c: {  	p2 =	seq.s32 s10, $0x1;
	s10 =	sld [smem:$0x3FB4]  }
0x3d: {  	_ =	shalt  }
0x3e: {  	_ =	shalt  }
0x3f: {  	_ =	shalt  }
0x40: {  	_ =	shalt  }
0x41: {  	_ =	shalt  }
0x42: {  	_ =	shalt  }
0x43: {  	_ =	shalt  }
0x44: {  	_ =	shalt  }
0x45: {  	_ =	shalt  }
0x46: {  	_ =	shalt  }
0x47: {  	_ =	shalt  }
0x48: {  	_ =	shalt  }
0x49: {  	_ =	shalt  }
0x4a: {  	_ =	shalt  }
0x4b: {  	_ =	shalt  }
0x4c: {  	_ =	shalt  }
0x4d: {  	_ =	shalt  }
0x4e: {  	_ =	shalt  }
0x4f: {  	_ =	shalt  }
0x50: {  	_ =	shalt  }
0x51: {  	_ =	shalt  }
0x52: {  	_ =	shalt  }
0x53: {  	_ =	shalt  }
0x54: {  	_ =	shalt  }
0x55: {  	_ =	shalt  }
0x56: {  	_ =	shalt  }
0x57: {  	_ =	shalt  }
0x58: {  	_ =	shalt  }
0x59: {  	_ =	shalt  }
0x5a: {  	_ =	shalt  }
0x5b: {  	_ =	shalt  }
0x5c: {  	_ =	shalt  }
0x5d: {  	_ =	shalt  }
0x5e: {  	_ =	shalt  }
0x5f: {  	_ =	shalt  }
0x60: {  	_ =	shalt  }
0x61: {  	_ =	shalt  }
0x62: {  	_ =	shalt  }
0x63: {  	_ =	shalt  }
0x64: {  	_ =	shalt  }
0x65: {  	_ =	shalt  }
0x66: {  	_ =	shalt  }
0x67: {  	_ =	shalt  }
0x68: {  	_ =	shalt  }
0x69: {  	_ =	shalt  }
0x6a: {  	_ =	shalt  }
0x6b: {  	_ =	shalt  }
0x6c: {  	_ =	shalt  }
0x6d: {  	_ =	shalt  }
0x6e: {  	_ =	shalt  }
0x6f: {  	_ =	shalt  }
0x70: {  	_ =	shalt  }
0x71: {  	_ =	shalt  }
0x72: {  	_ =	shalt  }
0x73: {  	_ =	shalt  }
0x74: {  	_ =	shalt  }
0x75: {  	_ =	shalt  }
0x76: {  	_ =	shalt  }
0x77: {  	_ =	shalt  }
0x78: {  	_ =	shalt  }
0x79: {  	_ =	shalt  }
0x7a: {  	_ =	shalt  }
0x7b: {  	_ =	shalt  }
0x7c: {  	_ =	shalt  }
0x7d: {  	_ =	shalt  }
0x7e: {  	_ =	shalt  }
0x7f: {  	_ =	shalt  }
0x80: {  	_ =	shalt  }
0x81: {  	_ =	shalt  }
0x82: {  	_ =	shalt  }
0x83: {  	_ =	shalt  }
0x84: {  	_ =	shalt  }
0x85: {  	_ =	shalt  }
0x86: {  	_ =	shalt  }
0x87: {  	_ =	shalt  }
.Lfunc_end0:
.L_simem_size_0:
called_computation_lowered:
.L_overlay_start_0:
0x88: {  	s2 =	sld [smem:$0x3FD9]  }
0x89: {  	s3 =	sld [smem:$0x3FFE];
	_ =	sdelay $0x1  }
0x8a: {  	s1 =	srdreg.scid  }
0x8b: {  	s0 =	sand.u32 $0x1, s1  }
0x8c: {  	s17 =	sshll.u32 s0, $0xA;
	s2 =	sadd.s32 s3, s2  }
0x8d: {  	s2 =	sadd.s32 s2, s17  }
0x8e: {  	[smem:$0x3FC0] =	sst s2  }
0x8f: {  	_ = 	snop  }
0x90: {  	s2 =	sld [smem:$0x3FC8];
	(tm) =	ssettm $0x1  }
0x91: {  	s18 =	sld [smem:$0x3FFB];
	_ =	sdelay $0x3  }
0x92: {  	_ =	strace s18  }
0x93: {  	s3 =	sld [smem:$0x3FFC];
	_ =	sdelay $0x3  }
0x94: {  	_ =	strace s3  }
0x95: {  	s3 =	sld [smem:$0x3FFD];
	_ =	sdelay $0x3  }
0x96: {  	_ =	strace s3  }
0x97: {  	_ =	strace $0x8FFFFFFF  }
0x98: {  	s19 =	sld [smem:$0x3FDB];
	_ =	sdelay $0x1  }
0x99: {  	s4 =	simm.s32 $_scs_section_size  }
0x9a: {  	s5 =	simm.s32 $_size__tile_overlayer_lowered;
	s6 =	simm.s32 $_tile_overlayer_lowered  }
0x9b: {  	s22 =	simm.s32 $0x1BFF;
	s21 =	sshll.u32 s6, $0x1;
	s3 =	sadd.s32 s4, s19  }
0x9c: {  	s7 =	simm.s32 $0x0;
	s20 =	sshll.u32 s5, $0x1;
	s5 =	sadd.s32 s21, s3  }
0x9d: {  	[timem:s7], [sflag:s22] =	dma.local [hbm:s5], s20  }
0x9e: {  	_ =	swait.ge [sflag:s22], s20  }
0x9f: {  	s4 =	ssub.s32 $0x0, s20;
	[sflag:s22] =	ssyncset.done $0x0  }
0xa0: {  	[sflag:s22] =	ssyncadd.s32 s4;
	_ =	sdelay $0x1  }
0xa1: {  	s23 =	simm.s32 $0x1B8B  }
0xa2: {  	_ =	swait.ge [sflag:s23], $0x1  }
0xa3: {  	[sflag:s23] =	ssyncset.done $0x0  }
0xa4: {  	s25 =	simm.s32 $0x1B8E;
	s24 =	sld [smem:$0x3FFE];
	[sflag:s23] =	ssyncadd.s32 $0xFFFFFFFF  }
0xa5: {  	s26 =	simm.s32 $execute0_lowered;
	[smem:$0x3FD2] =	sst s25  }
0xa6: {  	s5 =	sshll.u32 s26, $0x1;
	_ =	strace $0x80000046;
	[dreg:$0x1] =	wrdreg $0xFFFFFFFF  }
0xa7: {  	s28 =	simm.s32 $_size_execute0_lowered;
	s3 =	sadd.s32 s3, s5;
	[dreg:$0x0] =	wrdreg $0x0  }
0xa8: {  	s5 =	sshll.u32 s28, $0x1;
	[dreg:$0x2] =	wrdreg s3  }
0xa9: {  	[dreg:$0x3] =	wrdreg s5  }
0xaa: {  	[dreg:$0x4] =	wrdreg $0xC0  }
0xab: {  	_ =	task [dreg:s7], $0x5FFFF  }
0xac: {  	[dreg:$0x1] =	wrdreg $0xFFFFFFFF  }
0xad: {  	[dreg:$0x0] =	wrdreg $0x60  }
0xae: {  	[dreg:$0x2] =	wrdreg s24  }
0xaf: {  	[dreg:$0x3] =	wrdreg s2  }
0xb0: {  	[dreg:$0x4] =	wrdreg $0x9  }
0xb1: {  	_ =	task.clear_ibuf [dreg:s7], $0x5FFFF;
	_ =	strace $0x90000046  }
0xb2: {  	s29 =	simm.s32 $0x9;
	_ =	strace $0x80000048  }
0xb3: {  	_ =	swait.ge [sflag:s29], $0x1  }
0xb4: {  	[sflag:s29] =	ssyncadd.s32 $0xFFFFFFFF  }
0xb5: {  	_ =	strace $0x90000048  }
0xb6: {  	_ =	sfence  }
0xb7: {  	s30 =	sld [smem:$0x0];
	_ =	sdelay $0x2  }
0xb8: {  	s31 =	sshll.u32 s1, $0xD;
	s1 =	sshrl.u32 s1, $0x2  }
0xb9: {  	s3 =	sand.u32 $0x4000, s31;
	s1 =	sadd.s32 s1, s30  }
0xba: {  	s0 =	sor.u32 s3, s0;
	s1 =	sshll.u32 s1, $0x11  }
0xbb: {  	s0 =	sor.u32 s1, s0  }
0xbc: {  	s0 =	sadd.s32 $0x8F2B, s0  }
0xbd: {  	[sflag:s0] =	ssyncadd.remote.s32 $0x1  }
0xbe: {  	_ =	sfence.sel $0xFFFF  }
0xbf: {  	[dreg:$0x0] =	wrdreg $0xFFFFFFFF;
	(pc) =	sbr.abs _section_cstart, $3  }
0xc0: {  	[dreg:$0x1] =	wrdreg $0xFFFFFFFF  }
0xc1: {  	_ =	task.clear_ibuf [dreg:s7], $0x2FFFF;
	_ =	strace $0x9FFFFFFF  }
0xc2: {  	(tm) =	ssettm $0x7FFFFFFF  }
0xc3: {  	_ =	shalt  }
tec
execute0_lowered:
.L_overlay_start_1:
0x0: {  	(tag) =	ssettag $0x1  }
0x1: {  	s0 =	rddreg [dreg:$0x0]  }
0x2: {  	s1 =	rddreg [dreg:$0x1]  }
0x3: {  	s3 =	srdreg.scid;
	s9 =	stileid.u32  }
0x4: {  	s2 =	simm.s32 $0x0;
	s21 =	simm.s32 $0x1;
	s22 =	simm.s32 $0x1500  }
0x5: {  	s23 =	simm.s32 $0x1700;
	s24 =	simm.s32 $0x1E00;
	s25 =	simm.s32 $0x2500  }
0x6: {  	s4 =	sand.u32 $0x1, s3;
	s26 =	sshll.u32 s9, $0x1;
	[smem:$0x7FF] =	sst s2  }
0x7: {  	s3 =	sadd.s32 $0x1000, s0;
	s9 =	smul.u32 $0xC36, s9;
	s5 =	sor.u32 s4, s26  }
0x8: {  	_ =	strace $0x80000047;
	s28 =	ssub.s32 $0x2, s4;
	s11 =	smul.u32 $0x61B, s4  }
0x9: {  	s26 =	simm.s32 $0x0;
	s6 =	smul.u32 $0xA, s5;
	s29 =	sshrl.u32 s28, $0x1  }
0xa: {  	s7 =	sshll.u32 s5, $0x4;
	s13 =	smul.u32 $0x61B, s5;
	s12 =	ssub.s32 s28, s29  }
0xb: {  	s31 =	sadd.s32 s11, s9;
	s11 =	simm.s32 $0x2;
	s6 =	sadd.s32 s6, s0  }
0xc: {  	s0 =	sadd.s32 s7, s0;
	s8 =	sand.u32 $0xFFF8, s13;
	s10 =	smin.u32 s13, $0xBD35  }
0xd: {  	v0 =	vlaneseq.u32;
	s9 =	smax.u32 s12, $0x1;
	s12 =	simm.s32 $0x70;
	s8 =	smin.u32 s8, $0xBCC0  }
0xe: {  	v4 =	vmul.u32 $0xFFFFFFFF, v0;
	s14 =	sadd.s32 $0x61B, s10;
	s5 =	sadd.s32 $0x4600, s6;
	s30 =	sshrl.u32 s8, $0x3  }
0xf: {  	v3 =	vimm.f32 $0.0e+00;
	v5 =	vimm.f32 $-Inf;
	v6 =	vimm.s32 $0x0;
	s6 =	sadd.s32 $0x4800, s6;
	s4 =	sadd.s32 s1, s30;
	s1 =	sand.u32 $0x1FFF8, s31  }
0x10: {  	v4 =	vadd.s32 $0xF, v4;
	v1 =	vmov s13;
	s7 =	sadd.s32 $0x4200, s0;
	s8 =	sadd.s32 $0x4400, s0;
	v2 =	vmov s14;
	s10 =	smin.u32 s1, $0xBCC0  }
.LBB2_1:
0x11: {  	[tilespmem:s2], [sflag:$0x2] =	stream.linear.gather [hbm4b:s4+s2], $0x690, $0x38;
	[tilespmem:$0x2580] =	vst v63  }
0x12: {  	_ =	swait.ge [sflag:s11], $0x690  }
0x13: {  	[sflag:s11] =	ssyncset.done $0x0  }
0x14: {  	s0 =	simm.s32 $0x700;
	[sflag:s11] =	ssyncadd.s32 $0xFFFFF970  }
0x15: {  	[tilespmem:s0], [sflag:$0x1] =	stream.indirect.gather [hbm4b:s3+s12], $0x1, s2, s12, $0xb8;
	[tilespmem:$0x2580] =	vst v63  }
0x16: {  	s30 =	simm.s32 $0x770  }
0x17: {  	[tilespmem:s30], [sflag:$0x1] =	stream.indirect.gather [hbm4b:s3+s12], $0x1, s12, s12, $0xb8;
	[tilespmem:$0x2580] =	vst v63  }
0x18: {  	s31 =	simm.s32 $0xE0;
	s1 =	simm.s32 $0x7E0  }
0x19: {  	[tilespmem:s1], [sflag:$0x1] =	stream.indirect.gather [hbm4b:s3+s12], $0x1, s31, s12, $0xb8;
	[tilespmem:$0x2580] =	vst v63  }
0x1a: {  	s13 =	simm.s32 $0x150;
	s14 =	simm.s32 $0x850  }
0x1b: {  	[tilespmem:s14], [sflag:$0x1] =	stream.indirect.gather [hbm4b:s3+s12], $0x1, s13, s12, $0xb8;
	[tilespmem:$0x2580] =	vst v63  }
0x1c: {  	s15 =	simm.s32 $0x1C0;
	s16 =	simm.s32 $0x8C0  }
0x1d: {  	[tilespmem:s16], [sflag:$0x1] =	stream.indirect.gather [hbm4b:s3+s12], $0x1, s15, s12, $0xb8;
	[tilespmem:$0x2580] =	vst v63  }
0x1e: {  	s17 =	simm.s32 $0x230;
	s18 =	simm.s32 $0x930  }
0x1f: {  	[tilespmem:s18], [sflag:$0x1] =	stream.indirect.gather [hbm4b:s3+s12], $0x1, s17, s12, $0xb8;
	[tilespmem:$0x2580] =	vst v63  }
0x20: {  	s19 =	simm.s32 $0x2A0;
	s20 =	simm.s32 $0x9A0  }
0x21: {  	[tilespmem:s20], [sflag:$0x1] =	stream.indirect.gather [hbm4b:s3+s12], $0x1, s19, s12, $0xb8;
	[tilespmem:$0x2580] =	vst v63  }
0x22: {  	s28 =	simm.s32 $0x310;
	s29 =	simm.s32 $0xA10  }
0x23: {  	[tilespmem:s29], [sflag:$0x1] =	stream.indirect.gather [hbm4b:s3+s12], $0x1, s28, s12, $0xb8;
	[tilespmem:$0x2580] =	vst v63  }
0x24: {  	s30 =	simm.s32 $0x380;
	s31 =	simm.s32 $0xA80  }
0x25: {  	[tilespmem:s31], [sflag:$0x1] =	stream.indirect.gather [hbm4b:s3+s12], $0x1, s30, s12, $0xb8;
	[tilespmem:$0x2580] =	vst v63  }
0x26: {  	s1 =	simm.s32 $0x3F0;
	s13 =	simm.s32 $0xAF0  }
0x27: {  	[tilespmem:s13], [sflag:$0x1] =	stream.indirect.gather [hbm4b:s3+s12], $0x1, s1, s12, $0xb8;
	[tilespmem:$0x2580] =	vst v63  }
0x28: {  	s14 =	simm.s32 $0x460;
	s15 =	simm.s32 $0xB60  }
0x29: {  	[tilespmem:s15], [sflag:$0x1] =	stream.indirect.gather [hbm4b:s3+s12], $0x1, s14, s12, $0xb8;
	[tilespmem:$0x2580] =	vst v63  }
0x2a: {  	s16 =	simm.s32 $0x4D0;
	s17 =	simm.s32 $0xBD0  }
0x2b: {  	[tilespmem:s17], [sflag:$0x1] =	stream.indirect.gather [hbm4b:s3+s12], $0x1, s16, s12, $0xb8;
	[tilespmem:$0x2580] =	vst v63  }
0x2c: {  	s18 =	simm.s32 $0x540;
	s19 =	simm.s32 $0xC40  }
0x2d: {  	[tilespmem:s19], [sflag:$0x1] =	stream.indirect.gather [hbm4b:s3+s12], $0x1, s18, s12, $0xb8;
	[tilespmem:$0x2580] =	vst v63  }
0x2e: {  	s20 =	simm.s32 $0x5B0;
	s28 =	simm.s32 $0xCB0  }
0x2f: {  	[tilespmem:s28], [sflag:$0x1] =	stream.indirect.gather [hbm4b:s3+s12], $0x1, s20, s12, $0xb8;
	[tilespmem:$0x2580] =	vst v63  }
0x30: {  	s29 =	simm.s32 $0x620;
	s30 =	simm.s32 $0xD20  }
0x31: {  	[tilespmem:s30], [sflag:$0x1] =	stream.indirect.gather [hbm4b:s3+s12], $0x1, s29, s12, $0xb8;
	[tilespmem:$0x2580] =	vst v63  }
0x32: {  	_ =	swait.ge [sflag:s21], $0x70  }
0x33: {  	[sflag:s21] =	ssyncset.done $0x0  }
0x34: {  	[sflag:s21] =	ssyncadd.s32 $0xFFFFFF90  }
0x35: {  	_ =	swait.ge [sflag:s21], $0x70  }
0x36: {  	[sflag:s21] =	ssyncset.done $0x0  }
0x37: {  	[sflag:s21] =	ssyncadd.s32 $0xFFFFFF90  }
0x38: {  	_ =	swait.ge [sflag:s21], $0x70  }
0x39: {  	[sflag:s21] =	ssyncset.done $0x0  }
0x3a: {  	[sflag:s21] =	ssyncadd.s32 $0xFFFFFF90  }
0x3b: {  	_ =	swait.ge [sflag:s21], $0x70  }
0x3c: {  	[sflag:s21] =	ssyncset.done $0x0  }
0x3d: {  	[sflag:s21] =	ssyncadd.s32 $0xFFFFFF90  }
0x3e: {  	_ =	swait.ge [sflag:s21], $0x70  }
0x3f: {  	[sflag:s21] =	ssyncset.done $0x0  }
0x40: {  	[sflag:s21] =	ssyncadd.s32 $0xFFFFFF90  }
0x41: {  	_ =	swait.ge [sflag:s21], $0x70  }
0x42: {  	[sflag:s21] =	ssyncset.done $0x0  }
0x43: {  	[sflag:s21] =	ssyncadd.s32 $0xFFFFFF90  }
0x44: {  	_ =	swait.ge [sflag:s21], $0x70  }
0x45: {  	[sflag:s21] =	ssyncset.done $0x0  }
0x46: {  	[sflag:s21] =	ssyncadd.s32 $0xFFFFFF90  }
0x47: {  	_ =	swait.ge [sflag:s21], $0x70  }
0x48: {  	[sflag:s21] =	ssyncset.done $0x0  }
0x49: {  	[sflag:s21] =	ssyncadd.s32 $0xFFFFFF90  }
0x4a: {  	_ =	swait.ge [sflag:s21], $0x70  }
0x4b: {  	[sflag:s21] =	ssyncset.done $0x0  }
0x4c: {  	[sflag:s21] =	ssyncadd.s32 $0xFFFFFF90  }
0x4d: {  	_ =	swait.ge [sflag:s21], $0x70  }
0x4e: {  	[sflag:s21] =	ssyncset.done $0x0  }
0x4f: {  	[sflag:s21] =	ssyncadd.s32 $0xFFFFFF90  }
0x50: {  	_ =	swait.ge [sflag:s21], $0x70  }
0x51: {  	[sflag:s21] =	ssyncset.done $0x0  }
0x52: {  	[sflag:s21] =	ssyncadd.s32 $0xFFFFFF90  }
0x53: {  	_ =	swait.ge [sflag:s21], $0x70  }
0x54: {  	[sflag:s21] =	ssyncset.done $0x0  }
0x55: {  	[sflag:s21] =	ssyncadd.s32 $0xFFFFFF90  }
0x56: {  	_ =	swait.ge [sflag:s21], $0x70  }
0x57: {  	[sflag:s21] =	ssyncset.done $0x0  }
0x58: {  	[sflag:s21] =	ssyncadd.s32 $0xFFFFFF90  }
0x59: {  	_ =	swait.ge [sflag:s21], $0x70  }
0x5a: {  	[sflag:s21] =	ssyncset.done $0x0  }
0x5b: {  	[sflag:s21] =	ssyncadd.s32 $0xFFFFFF90  }
0x5c: {  	_ =	swait.ge [sflag:s21], $0x70  }
0x5d: {  	[sflag:s21] =	ssyncset.done $0x0  }
0x5e: {  	s31 =	simm.s32 $0x0;
	[sflag:s21] =	ssyncadd.s32 $0xFFFFFF90  }
0x5f: {  	v10 =	vld [tilespmem:s31+$0x700];
	_ =	sdelay $0x2  }
0x60: {  	v7 =	vimm.f32 $+Inf;
	v9 =	vadd.s32 s10, v0  }
0x61: {  	v8 =	vimm.f32 $-Inf;
	vm0 =	vge.u32 v9, v1;
	vm1 =	vlt.u32 v9, v2;
	s0 =	simm.s32 $0x40;
	s1 =	smov.u32 s10  }
.LBB2_2:
0x62: {  	s13 =	sshra.s32 s0, $0x2;
	p0 =	sne.s32 s0, $0x1A00;
	s0 =	sadd.s32 $0x40, s0;
	vm0 =	vmand vm0, vm1;
	v11 =	vmax.f32 v8, v10;
	v12 =	vmin.f32 v7, v10  }
.Ltmp0:
0x63: {  	v10 =	vld [tilespmem:s13+$0x700];
	v8 =	vsel vm0, v11, v8;
	v7 =	vsel vm0, v12, v7;
	(pc) =	sbr.rel @p0 .LBB2_2-.Ltmp0, $4  }
0x64: {  	_ = 	snop  }
0x65: {  	s1 =	sadd.s32 $0x10, s1  }
0x66: {  	v11 =	vadd.s32 s1, v0  }
0x67: {  	vm0 =	vge.u32 v11, v1;
	vm1 =	vlt.u32 v11, v2  }
0x68: {  	vm0 =	vmand vm0, vm1;
	v11 =	vmax.f32 v8, v10  }
0x69: {  	v10 =	vmin.f32 v7, v10;
	v11 =	vsel vm0, v11, v8  }
0x6a: {  	v8 =	vimm.f32 $0.0e+00;
	v7 =	vsel vm0, v10, v7;
	(xrf0) =	vmax.scan.msk.f32 $0xffff, v11  }
0x6b: {  	[tilespmem:$0x1500] =	vst v8;
	(xrf0) =	vmin.scan.msk.f32 $0xffff, v7  }
0x6c: {  	[tilespmem:$0x1510] =	vst v8  }
0x6d: {  	[tilespmem:$0x1520] =	vst v8  }
0x6e: {  	[tilespmem:$0x1530] =	vst v8  }
0x6f: {  	[tilespmem:$0x1540] =	vst v8  }
0x70: {  	[tilespmem:$0x1550] =	vst v8;
	v7, _, _ =	vpop (xrf0)  }
0x71: {  	[tilespmem:$0x1560] =	vst v8;
	(v2sf) =	vpush v7, $0xF;
	v10, _, _ =	vpop (xrf0)  }
0x72: {  	[tilespmem:$0x1570] =	vst v8;
	(v2sf) =	vpush v10, $0xF  }
0x73: {  	[tilespmem:$0x1580] =	vst v8  }
0x74: {  	[tilespmem:$0x1590] =	vst v8  }
0x75: {  	[tilespmem:$0x15A0] =	vst v8  }
0x76: {  	[tilespmem:$0x15B0] =	vst v8  }
0x77: {  	[tilespmem:$0x15C0] =	vst v8  }
0x78: {  	[tilespmem:$0x15D0] =	vst v8  }
0x79: {  	[tilespmem:$0x15E0] =	vst v8  }
0x7a: {  	[tilespmem:$0x15F0] =	vst v8  }
0x7b: {  	[tilespmem:$0x1600] =	vst v8  }
0x7c: {  	[tilespmem:$0x1610] =	vst v8  }
0x7d: {  	[tilespmem:$0x1620] =	vst v8  }
0x7e: {  	[tilespmem:$0x1630] =	vst v8  }
0x7f: {  	[tilespmem:$0x1640] =	vst v8  }
0x80: {  	[tilespmem:$0x1650] =	vst v8;
	s0 =	spop (v2sf)  }
0x81: {  	[tilespmem:$0x1660] =	vst v8;
	s1 =	spop (v2sf)  }
0x82: {  	[tilespmem:$0x1670] =	vst v8;
	s0 =	ssub.f32 s0, s1  }
0x83: {  	[tilespmem:$0x1680] =	vst v8  }
0x84: {  	[tilespmem:$0x1690] =	vst v8;
	v11 =	vmov s0  }
0x85: {  	[tilespmem:$0x16A0] =	vst v8;
	v11 =	vmax.f32 v11, $1.000000000e-30  }
0x86: {  	[tilespmem:$0x16B0] =	vst v8;
	v11 =	vbroadcast v11, $0x0  }
0x87: {  	[tilespmem:$0x16C0] =	vst v8  }
0x88: {  	[tilespmem:$0x16D0] =	vst v8;
	(erf) = vrcp.f32 v11  }
0x89: {  	[tilespmem:$0x16E0] =	vst v8  }
0x8a: {  	s31 =	simm.s32 $0x0;
	[tilespmem:$0x16F0] =	vst v8  }
0x8b: {  	v12 =	vld [tilespmem:s31+$0x700];
	_ =	sdelay $0x2  }
0x8c: {  	v7 =	vbroadcast v7, $0xF;
	_ =	sdelay $0x1  }
0x8d: {  	v10 =	vbroadcast v10, $0xF;
	v11 =	vsub.f32 v12, v7  }
0x8e: {  	v13 =	vpop (erf)  }
0x8f: {  	v12 =	vsub.f32 v12, v10;
	v14 =	vmul.f32 $1.442695020e+00, v11;
	v11 =	vmul.f32 $5.120000000e+02, v13;
	_ =	sdelay $0x1  }
0x90: {  	v12 =	vmul.f32 v12, v11;
	_ =	sdelay $0x1  }
0x91: {  	(erf) = vpow2.f32 v14;
	v12 =	vmax.f32 v12, $0.0e+00  }
0x92: {  	v12 =	vmin.f32 v12, $5.110000000e+02  }
0x93: {  	v12 =	vtrunc.f32 v12  }
0x94: {  	vm1 =	vlt.u32 v9, v2;
	vm0 =	vge.u32 v9, v1;
	v9 =	vcvt.f32.s32 v12  }
0x95: {  	vm2 =	vmand vm0, vm1  }
0x96: {  	v12 =	vnsel vm2, $0x0, v9;
	_ =	sdelay $0x2  }
0x97: {  	s28 =	simm.s32 $0x0  }
0x98: {  	s13 =	simm.s32 $0x40;
	s1 =	simm.s32 $0x80;
	s0 =	smov.u32 s10;
	v13 =	vsel vm2, $0x3F800000, v3;
	[tilespmem:s31+$0xE00] =	vst v12;
	v9 =	vpop (erf)  }
.LBB2_4:
0x99: {  	p0 =	sne.s32 s1, $0x1A00;
	s14 =	sshra.s32 s13, $0x2;
	v9 =	vnsel vm2, $0x0, v9;
	[tilespmem:v12+s22+$0x0] =	vst.idx.add.f32.msk $0xffff, v13;
	s13 =	smov.u32 s1  }
0x9a: {  	v12 =	vld [tilespmem:s14+$0x700];
	v8 =	vadd.f32 v9, v8;
	_ =	sdelay $0x4  }
0x9b: {  	v9 =	vsub.f32 v12, v7;
	v12 =	vsub.f32 v12, v10;
	_ =	sdelay $0x1  }
0x9c: {  	v9 =	vmul.f32 $1.442695020e+00, v9;
	v12 =	vmul.f32 v12, v11;
	_ =	sdelay $0x1  }
0x9d: {  	v12 =	vmax.f32 v12, $0.0e+00;
	(erf) = vpow2.f32 v9  }
0x9e: {  	s0 =	sadd.s32 $0x10, s0;
	v9 =	vmin.f32 v12, $5.110000000e+02  }
0x9f: {  	v12 =	vadd.s32 s0, v0;
	v9 =	vtrunc.f32 v9  }
0xa0: {  	vm2 =	vge.u32 v12, v1;
	vm3 =	vlt.u32 v12, v2;
	v9 =	vcvt.f32.s32 v9  }
0xa1: {  	vm2 =	vmand vm2, vm3  }
.Ltmp1:
0xa2: {  	v12 =	vnsel vm2, $0x0, v9;
	(pc) =	sbr.rel @p0 .LBB2_4-.Ltmp1, $2  }
0xa3: {  	_ =	sdelay $0x2  }
0xa4: {  	s1 =	sadd.s32 $0x40, s1;
	v13 =	vsel vm2, $0x3F800000, v3;
	[tilespmem:s14+$0xE00] =	vst v12;
	v9 =	vpop (erf)  }
0xa5: {  	_ =	sdelay $0x3  }
0xa6: {  	s1 =	sshra.s32 s13, $0x2;
	[tilespmem:v12+s22+$0x0] =	vst.idx.add.f32.msk $0xffff, v13  }
0xa7: {  	v12 =	vld [tilespmem:s1+$0x700];
	_ =	sdelay $0x4  }
0xa8: {  	v10 =	vsub.f32 v12, v10;
	_ =	sdelay $0x1  }
0xa9: {  	v10 =	vmul.f32 v10, v11;
	_ =	sdelay $0x1  }
0xaa: {  	v10 =	vmax.f32 v10, $0.0e+00  }
0xab: {  	s0 =	sadd.s32 $0x10, s0;
	v10 =	vmin.f32 v10, $5.110000000e+02  }
0xac: {  	v11 =	vadd.s32 s0, v0;
	v10 =	vtrunc.f32 v10  }
0xad: {  	vm3 =	vge.u32 v11, v1;
	vm4 =	vlt.u32 v11, v2;
	v10 =	vcvt.f32.s32 v10  }
0xae: {  	vm3 =	vmand vm3, vm4  }
0xaf: {  	v10 =	vnsel vm3, $0x0, v10;
	_ =	sdelay $0x3  }
0xb0: {  	v11 =	vsel vm3, $0x3F800000, v3;
	[tilespmem:s1+$0xE00] =	vst v10  }
0xb1: {  	s14 =	simm.s32 $0x16F0;
	[tilespmem:v10+s22+$0x0] =	vst.idx.add.f32.msk $0xffff, v11  }
0xb2: {  	v10 =	vld [tilespmem:s14+$0x0];
	_ =	sdelay $0x4  }
0xb3: {  	(xrf2) =	vadd.scan.msk.f32 $0xffff, v10;
	_ =	sdelay $0x8  }
0xb4: {  	s15 =	simm.s32 $0x16E0  }
0xb5: {  	v10 =	vld [tilespmem:s15+$0x0];
	v11, _, _ =	vpop (xrf2)  }
0xb6: {  	(v2sf) =	vpush v11, $0xF  }
0xb7: {  	s16 =	simm.s32 $0x16D0  }
0xb8: {  	s17 =	simm.s32 $0x16C0;
	v11 =	vld [tilespmem:s16+$0x0]  }
0xb9: {  	v13 =	vld [tilespmem:s17+$0x0]  }
0xba: {  	(xrf2) =	vadd.scan.msk.f32 $0xffff, v10;
	_ =	sdelay $0x2  }
0xbb: {  	(xrf2) =	vadd.scan.msk.f32 $0xffff, v11  }
0xbc: {  	(xrf2) =	vadd.scan.msk.f32 $0xffff, v13;
	_ =	sdelay $0x3  }
0xbd: {  	v12 =	vsub.f32 v12, v7;
	_ =	sdelay $0x1  }
0xbe: {  	v9 =	vnsel vm2, $0x0, v9;
	v10 =	vmul.f32 $1.442695020e+00, v12;
	v61, _, _ =	vpop (xrf2)  }
0xbf: {  	s20 =	spop (v2sf);
	(v2sf) =	vpush v61, $0xF  }
0xc0: {  	s18 =	simm.s32 $0x16B0;
	(erf) = vpow2.f32 v10  }
0xc1: {  	v8 =	vadd.f32 v9, v8;
	v10 =	vld [tilespmem:s18+$0x0];
	v9, _, _ =	vpop (xrf2)  }
0xc2: {  	s19 =	simm.s32 $0x16A0;
	(v2sf) =	vpush v9, $0xF;
	v9, _, _ =	vpop (xrf2)  }
0xc3: {  	v11 =	vld [tilespmem:s19+$0x0];
	(v2sf) =	vpush v9, $0xF;
	_ =	sdelay $0x2  }
0xc4: {  	(xrf2) =	vadd.scan.msk.f32 $0xffff, v10  }
0xc5: {  	s29 =	simm.f32 $6.400000000e+01;
	s16 =	simm.f32 $0.0e+00  }
0xc6: {  	s13 =	simm.s32 $0x1C;
	s31 =	simm.s32 $0x1B;
	(xrf2) =	vadd.scan.msk.f32 $0xffff, v11;
	s30 =	sadd.f32 s20, s16  }
0xc7: {  	s0 =	simm.s32 $0x1A;
	s1 =	simm.s32 $0x1D;
	s14 =	simm.s32 $0x1E;
	v62 =	vpop (erf)  }
0xc8: {  	s17 =	simm.s32 $0x19;
	p0 =	slt.f32 s16, $6.400000000e+01;
	v63 =	vnsel vm3, $0x0, v62;
	p2 =	sge.f32 s30, $6.400000000e+01  }
0xc9: {  	s15 =	simm.s32 $0x1F;
	s18 =	simm.s32 $0x1690;
	v8 =	vadd.f32 v63, v8;
	s16 =	ssub.f32 $6.400000000e+01, s16  }
.LBB2_6:
0xca: {  	p1 =	sne.s32 s17, $0x0;
	p0 =	por !p0, !p2;
	s19 =	smov.u32 s31  }
0xcb: {  	v9 =	vld [tilespmem:s18+$0x0];
	s31 =	smov.u32 s0;
	s0 =	smov.u32 s17;
	s17 =	sadd.s32 $0xFFFFFFFF, s17  }
.Ltmp2:
0xcc: {  	s20 =	spop (v2sf);
	p0 =	por !p0, !p0;
	(pc) =	sbr.rel @p1 .LBB2_6-.Ltmp2, $4  }
0xcd: {  	s29 =	smov.u32 @p0 s16;
	s16 =	smov.u32 s30;
	s30 =	sadd.f32 s20, s30  }
0xce: {  	s28 =	smov.u32 @p0 s15;
	s15 =	smov.u32 s14;
	s14 =	smov.u32 s1;
	v10, _, _ =	vpop (xrf2)  }
0xcf: {  	s1 =	smov.u32 s13;
	p0 =	slt.f32 s16, $6.400000000e+01;
	(v2sf) =	vpush v10, $0xF;
	p2 =	sge.f32 s30, $6.400000000e+01  }
0xd0: {  	s18 =	sadd.s32 $0xFFFFFFF0, s18;
	s13 =	smov.u32 s19;
	s16 =	ssub.f32 $6.400000000e+01, s16;
	(xrf2) =	vadd.scan.msk.f32 $0xffff, v9  }
0xd1: {  	_ =	sdelay $0x6  }
0xd2: {  	v9, _, _ =	vpop (xrf2)  }
0xd3: {  	(v2sf) =	vpush v9, $0xF  }
0xd4: {  	v9, _, _ =	vpop (xrf2)  }
0xd5: {  	(v2sf) =	vpush v9, $0xF;
	_ =	sdelay $0x3  }
0xd6: {  	s17 =	spop (v2sf)  }
0xd7: {  	s17 =	sadd.f32 s17, s30  }
0xd8: {  	p0 =	por !p0, !p2  }
0xd9: {  	p1 =	slt.f32 s30, $6.400000000e+01;
	p0 =	por !p0, !p0;
	p5 =	sge.f32 s17, $6.400000000e+01  }
0xda: {  	s20 =	spop (v2sf);
	s18 =	simm.s32 @!p0 $0x0  }
0xdb: {  	s28 =	smov.u32 @p0 s15;
	s18 =	simm.s32 @p0 $0x1;
	p1 =	por !p1, !p5  }
0xdc: {  	s15 =	sadd.f32 s20, s17;
	p3 =	slt.f32 s17, $6.400000000e+01;
	p0 =	por !p1, !p1  }
0xdd: {  	[smem:$0x7FC] =	sst s18;
	s20 =	simm.s32 @!p0 $0x0;
	s19 =	spop (v2sf)  }
0xde: {  	p4 =	sge.f32 s15, $6.400000000e+01;
	s20 =	simm.s32 @p0 $0x1;
	s18 =	sadd.f32 s19, s15  }
0xdf: {  	[smem:$0x7FD] =	sst s20;
	s19 =	spop (v2sf)  }
0xe0: {  	p6 =	slt.f32 s15, $6.400000000e+01;
	s19 =	sadd.f32 s19, s18  }
0xe1: {  	p5 =	sge.f32 s18, $6.400000000e+01;
	s20 =	spop (v2sf)  }
0xe2: {  	s28 =	smov.u32 @p0 s14;
	p3 =	por !p3, !p4;
	s20 =	sadd.f32 s20, s19  }
0xe3: {  	p4 =	por !p6, !p5;
	p5 =	slt.f32 s18, $6.400000000e+01;
	p6 =	sge.f32 s19, $6.400000000e+01  }
0xe4: {  	p2 =	por !p3, !p3;
	p0 =	slt.f32 s19, $6.400000000e+01;
	p1 =	sge.f32 s20, $6.400000000e+01  }
0xe5: {  	s28 =	smov.u32 @p2 s1;
	p3 =	por !p4, !p4;
	p5 =	por !p5, !p6  }
0xe6: {  	s28 =	smov.u32 @p3 s13;
	p4 =	por !p5, !p5;
	p0 =	por !p0, !p1  }
0xe7: {  	s28 =	smov.u32 @p4 s31;
	p5 =	por !p0, !p0  }
0xe8: {  	s28 =	smov.u32 @p5 s0  }
0xe9: {  	s0 =	sshll.u32 s28, $0x4  }
0xea: {  	v9 =	vld [tilespmem:s0+$0x1500];
	_ =	sdelay $0x4  }
0xeb: {  	v9 =	vperm.xlane v9, v4;
	_ =	sdelay $0x1  }
0xec: {  	(xrf2) =	vadd.scan.msk.f32 $0xffff, v9  }
0xed: {  	s20 =	sld [smem:$0x7FC]  }
0xee: {  	s28 =	sld [smem:$0x7FD];
	_ =	sdelay $0x1  }
0xef: {  	s1 =	ssub.f32 $6.400000000e+01, s30;
	p0 =	seq.s32 s20, $0x1  }
0xf0: {  	s13 =	ssub.f32 $6.400000000e+01, s17;
	s29 =	smov.u32 @p0 s16;
	p0 =	seq.s32 s28, $0x1  }
0xf1: {  	s29 =	smov.u32 @p0 s1;
	s1 =	ssub.f32 $6.400000000e+01, s15  }
0xf2: {  	s29 =	smov.u32 @p2 s13;
	s13 =	ssub.f32 $6.400000000e+01, s18  }
0xf3: {  	s29 =	smov.u32 @p3 s1;
	s1 =	ssub.f32 $6.400000000e+01, s19  }
0xf4: {  	s29 =	smov.u32 @p4 s13  }
0xf5: {  	s29 =	smov.u32 @p5 s1;
	v9, _, _ =	vpop (xrf2)  }
0xf6: {  	vm2 =	vge.f32 v9, s29  }
0xf7: {  	v9 =	vmctz.xlane vm2;
	_ =	sdelay $0x1  }
0xf8: {  	v9 =	vxor.u32 $0x80000000, v9  }
0xf9: {  	(xrf0) =	vmax.scan.msk.u32 $0xffff, v9;
	_ =	sdelay $0x5  }
0xfa: {  	v9, _, _ =	vpop (xrf0)  }
0xfb: {  	(v2sf) =	vpush v9, $0xF;
	_ =	sdelay $0x4  }
0xfc: {  	[tilespmem:$0x1700] =	vst v5  }
0xfd: {  	[tilespmem:$0x1E00] =	vst v6  }
0xfe: {  	[tilespmem:$0x1710] =	vst v5  }
0xff: {  	[tilespmem:$0x1E10] =	vst v6  }
0x100: {  	[tilespmem:$0x1720] =	vst v5  }
0x101: {  	[tilespmem:$0x1E20] =	vst v6  }
0x102: {  	[tilespmem:$0x1730] =	vst v5  }
0x103: {  	[tilespmem:$0x1E30] =	vst v6  }
0x104: {  	[tilespmem:$0x1740] =	vst v5  }
0x105: {  	s30 =	simm.s32 $0x0;
	[tilespmem:$0x1E40] =	vst v6  }
0x106: {  	v10 =	vld [tilespmem:s30+$0xE00];
	s31 =	spop (v2sf)  }
0x107: {  	s13 =	sxor.u32 $0x7FFFFFFF, s31  }
0x108: {  	s0 =	sadd.s32 s0, s13  }
0x109: {  	s0 =	sadd.s32 $0x10, s0  }
0x10a: {  	v9 =	vmov s0  }
0x10b: {  	vm15 =	vge.s32 v10, v9  }
0x10c: {  	vm0 =	vmand vm0, vm15  }
0x10d: {  	vm0 =	vmand vm1, vm0  }
0x10e: {  	v11 =	vmpcnt.ones.xlane vm0  }
0x10f: {  	v10 =	vld [tilespmem:s30+$0x700]  }
0x110: {  	v11 =	vxor.u32 $0x80000000, v11  }
0x111: {  	(xrf0) =	vmax.scan.msk.u32 $0xffff, v11;
	_ =	sdelay $0x1  }
0x112: {  	s0 =	simm.s32 $0x0  }
0x113: {  	[tilespmem:s0+$0x1700] =	vst.msk vm0, v10  }
0x114: {  	v10 =	vld [tilespmem:s30+$0x0];
	_ =	sdelay $0x1  }
0x115: {  	v11, _, _ =	vpop (xrf0)  }
0x116: {  	(v2sf) =	vpush v11, $0xF;
	_ =	sdelay $0x1  }
0x117: {  	s1 =	simm.s32 $0x10;
	[tilespmem:s0+$0x1E00] =	vst.msk vm0, v10  }
0x118: {  	s14 =	simm.s32 $0x80;
	s13 =	smov.u32 s10;
	v10 =	vld [tilespmem:s1+$0x700]  }
.LBB2_8:
0x119: {  	p0 =	sne.s32 s14, $0x1A00;
	v11 =	vld [tilespmem:s1+$0xE00];
	_ =	sdelay $0x2  }
0x11a: {  	s13 =	sadd.s32 $0x10, s13  }
0x11b: {  	v12 =	vadd.s32 s13, v0  }
0x11c: {  	vm1 =	vge.u32 v12, v1;
	vm0 =	vge.s32 v11, v9  }
0x11d: {  	vm0 =	vmand vm1, vm0;
	vm1 =	vlt.u32 v12, v2  }
0x11e: {  	vm0 =	vmand vm1, vm0  }
0x11f: {  	v11 =	vmpcnt.ones.xlane vm0;
	_ =	sdelay $0x1  }
0x120: {  	v11 =	vxor.u32 $0x80000000, v11  }
0x121: {  	(xrf0) =	vmax.scan.msk.u32 $0xffff, v11;
	s15 =	spop (v2sf)  }
0x122: {  	s0 =	sadd.s32 s15, s0  }
0x123: {  	s0 =	sadd.s32 $0x80000000, s0  }
0x124: {  	[tilespmem:s0+$0x1700] =	vst.msk vm0, v10  }
0x125: {  	v10 =	vld [tilespmem:s1+$0x0];
	_ =	sdelay $0x1  }
.Ltmp3:
0x126: {  	v11, _, _ =	vpop (xrf0);
	(pc) =	sbr.rel @p0 .LBB2_8-.Ltmp3, $3  }
0x127: {  	(v2sf) =	vpush v11, $0xF;
	_ =	sdelay $0x1  }
0x128: {  	s1 =	sshra.s32 s14, $0x2;
	[tilespmem:s0+$0x1E00] =	vst.msk vm0, v10  }
0x129: {  	s14 =	sadd.s32 $0x40, s14;
	v10 =	vld [tilespmem:s1+$0x700]  }
0x12a: {  	v11 =	vld [tilespmem:s1+$0xE00];
	_ =	sdelay $0x2  }
0x12b: {  	s13 =	sadd.s32 $0x10, s13  }
0x12c: {  	v12 =	vadd.s32 s13, v0  }
0x12d: {  	vm1 =	vge.u32 v12, v1;
	vm0 =	vge.s32 v11, v9  }
0x12e: {  	vm15 =	vlt.u32 v12, v2;
	vm0 =	vmand vm1, vm0  }
0x12f: {  	vm0 =	vmand vm15, vm0  }
0x130: {  	v62 =	vmpcnt.ones.xlane vm0;
	_ =	sdelay $0x1  }
0x131: {  	v9 =	vxor.u32 $0x80000000, v62  }
0x132: {  	(xrf0) =	vmax.scan.msk.u32 $0xffff, v9;
	_ =	sdelay $0x5  }
0x133: {  	v9, _, _ =	vpop (xrf0)  }
0x134: {  	(v2sf) =	vpush v9, $0xF;
	_ =	sdelay $0x3  }
0x135: {  	s30 =	spop (v2sf)  }
0x136: {  	s0 =	sadd.s32 s30, s0  }
0x137: {  	s0 =	sadd.s32 $0x80000000, s0  }
0x138: {  	[tilespmem:s0+$0x1700] =	vst.msk vm0, v10  }
0x139: {  	v63 =	vld [tilespmem:s1+$0x0];
	_ =	sdelay $0x4  }
0x13a: {  	[tilespmem:s0+$0x1E00] =	vst.msk vm0, v63  }
0x13b: {  	[hbm4b:s5+s2] =	stream.linear.scatter [tilespmem:s23], [sflag:$0x2], $0x50, $0x38;
	[tilespmem:$0x2580] =	vst v63  }
0x13c: {  	s31 =	spop (v2sf)  }
0x13d: {  	_ =	swait.ge [sflag:s11], $0x50  }
0x13e: {  	[sflag:s11] =	ssyncset.done $0x0  }
0x13f: {  	[sflag:s11] =	ssyncadd.s32 $0xFFFFFFB0  }
0x140: {  	[hbm4b:s6+s2] =	stream.linear.scatter [tilespmem:s24], [sflag:$0x2], $0x50, $0x38;
	[tilespmem:$0x2580] =	vst v63  }
0x141: {  	_ =	swait.ge [sflag:s11], $0x50  }
0x142: {  	[sflag:s11] =	ssyncset.done $0x0  }
0x143: {  	[sflag:s11] =	ssyncadd.s32 $0xFFFFFFB0  }
0x144: {  	[tilespmem:$0x2500] =	vst v7  }
0x145: {  	[hbm4b:s7+s2] =	stream.linear.scatter [tilespmem:s25], [sflag:$0x2], $0x80, $0x38;
	[tilespmem:$0x2580] =	vst v63  }
0x146: {  	_ =	swait.ge [sflag:s11], $0x80  }
0x147: {  	s26 =	sadd.s32 $0x1, s26;
	[sflag:s11] =	ssyncset.done $0x0  }
0x148: {  	p0 =	sne.s32 s26, s9;
	[sflag:s11] =	ssyncadd.s32 $0xFFFFFF80  }
.Ltmp4:
0x149: {  	[tilespmem:$0x2500] =	vst v8;
	(pc) =	sbr.rel @p0 .LBB2_1-.Ltmp4, $4  }
0x14a: {  	[hbm4b:s8+s2] =	stream.linear.scatter [tilespmem:s25], [sflag:$0x2], $0x80, $0x38;
	[tilespmem:$0x2580] =	vst v63  }
0x14b: {  	_ =	swait.ge [sflag:s11], $0x80  }
0x14c: {  	[sflag:s11] =	ssyncset.done $0x0  }
0x14d: {  	[sflag:s11] =	ssyncadd.s32 $0xFFFFFF80  }
0x14e: {  	_ =	sfence.sel $0x180000  }
0x14f: {  	[bflag:$0x0] =	sbarrier.arrive $0xFFFF  }
0x150: {  	_ =	strace $0x90000047  }
0x151: {  	s0 =	stileid.u32;
	[bflag:$0x2] =	sbarrier.arrive $0xFFFF  }
0x152: {  	p0 =	sne.s32 s0, $0x0;
	s0 =	rddreg [dreg:$0x2]  }
0x153: {  	s0 =	sadd.s32 @!p0 $0x100000, s0  }
0x154: {  	[sflag:s0] =	ssyncadd.tile.s32 @!p0 $0x1;
	_ =	shalt  }
.Lfunc_end2:
_tile_overlayer_lowered:
.L_overlay_start_2:
0x155: {  	(tag) =	ssettag $0x2  }
0x156: {  	s0 =	rddreg [dreg:$0x0];
	s2 =	stileid.u32  }
0x157: {  	s1 =	rddreg [dreg:$0x1];
	p0 =	sne.s32 s2, $0x0  }
0x158: {  	s3 =	rddreg [dreg:$0x2];
	[bflag:$0x3] =	sbarrier.arrive $0xFFFF;
	s2 =	simm.s32 @!p0 $0x1C02  }
0x159: {  	[timem:s3], [sflag:s2] =	dma.local @!p0 [hbm:s0], s1  }
0x15a: {  	s0 =	simm.s32 @!p0 $0x2  }
0x15b: {  	_ =	swait.ge @!p0 [sflag:s0], s1  }
0x15c: {  	s1 =	ssub.s32 @!p0 $0x0, s1;
	[sflag:s0] =	ssyncset.done @!p0 $0x0  }
0x15d: {  	[sflag:s0] =	ssyncadd.s32 @!p0 s1  }
0x15e: {  	[bflag:$0x3] =	sbarrier.arrive $0xFFFF  }
0x15f: {  	_ =	shalt  }

</sc_bundles>
